<compile_context>
chip_gen: v7x
topology: tpu7x:2x2x1
jax: 0.10.2.dev20260603
libtpu: 0.0.44.dev20260713+nightly
codegen_flags: <defaults>
</compile_context>

<pallas_src>
import functools

import jax
import jax.numpy as jnp
from jax import lax
from jax.experimental import pallas as pl
from jax.experimental.pallas import tpu as pltpu
from jax.experimental.pallas import tpu_sc as plsc

VOCAB = 1000
B_SZ = 1024
T_SZ = 50
NTOK = B_SZ * T_SZ
NW = 32
TPW = NTOK // NW
RC = 50
RCP = 56
VPAD = 1024
NRC = TPW // RC
SC_CH = 64
N_SCCH = TPW // SC_CH

_MESH = plsc.VectorSubcoreMesh(core_axis_name="c", subcore_axis_name="s")
_UNTILED = pltpu.CompilerParams(use_tc_tiling_on_sc=False)


def _row_lse_body(table_ref, out_ref):
    t = table_ref[...]
    m = jnp.max(t, axis=1, keepdims=True)
    s = jnp.sum(jnp.exp(t - m), axis=1, keepdims=True)
    out_ref[...] = jnp.log(s) + m


def _row_lse(table):
    out = pl.pallas_call(
        _row_lse_body,
        out_shape=jax.ShapeDtypeStruct((VOCAB, 1), jnp.float32),
    )(table)
    return out.reshape(VOCAB)


@functools.partial(
    pl.kernel,
    mesh=_MESH,
    compiler_params=_UNTILED,
    out_type=jax.ShapeDtypeStruct((B_SZ, RCP, VPAD), jnp.float32),
    scratch_types=[
        pltpu.VMEM((NRC, RCP), jnp.int32),
        pltpu.VMEM((RCP, VPAD), jnp.float32),
        pltpu.VMEM((RCP, VPAD), jnp.float32),
        pltpu.SemaphoreType.DMA,
        pltpu.SemaphoreType.DMA,
    ],
)
def _sc_rows(x2_hbm, table_hbm, out_hbm, xr, buf0, buf1, sg0, sg1):
    cid = lax.axis_index("c")
    sid = lax.axis_index("s")
    wid = sid * 2 + cid
    batch0 = wid * NRC

    pltpu.sync_copy(x2_hbm.at[wid], xr)

    def gather_start(j, buf, sem):
        return pltpu.make_async_copy(table_hbm.at[xr.at[j]], buf, sem)

    def write_out(buf, j):
        pltpu.sync_copy(buf, out_hbm.at[batch0 + j])

    gather_start(0, buf0, sg0).start()

    def body(g, carry):
        j = 2 * g
        gather_start(j, buf0, sg0).wait()
        gather_start(j + 1, buf1, sg1).start()
        write_out(buf0, j)
        gather_start(j + 1, buf1, sg1).wait()

        @pl.when(j + 2 < NRC)
        def _():
            gather_start(j + 2, buf0, sg0).start()

        write_out(buf1, j + 1)
        return carry

    lax.fori_loop(0, NRC // 2, body, 0)


@functools.partial(
    pl.kernel,
    mesh=_MESH,
    compiler_params=_UNTILED,
    out_type=jax.ShapeDtypeStruct((NW, 16), jnp.float32),
    scratch_types=[
        pltpu.VMEM((TPW,), jnp.int32),
        pltpu.VMEM((TPW,), jnp.int32),
        pltpu.VMEM((TPW,), jnp.int32),
        pltpu.VMEM((TPW,), jnp.float32),
        pltpu.VMEM((TPW,), jnp.float32),
        pltpu.VMEM((16,), jnp.float32),
        pltpu.SemaphoreType.DMA,
        pltpu.SemaphoreType.DMA,
    ],
)
def _sc_loss(x_hbm, y_hbm, tflat_hbm, lse_hbm, part_hbm,
             xs, yv, fv, lsev, pick, acc_v, sl, sp):
    cid = lax.axis_index("c")
    sid = lax.axis_index("s")
    wid = sid * 2 + cid
    base = wid * TPW

    pltpu.sync_copy(x_hbm.at[pl.ds(base, TPW)], xs)
    pltpu.sync_copy(y_hbm.at[pl.ds(base, TPW)], yv)

    def build_flat(i, carry):
        s16 = pl.ds(i * 16, 16)
        fv[s16] = xs[s16] * VOCAB + yv[s16]
        return carry

    lax.fori_loop(0, TPW // 16, build_flat, 0)

    def scalar_desc(i):
        s = pl.ds(i * SC_CH, SC_CH)
        dl = pltpu.make_async_copy(lse_hbm.at[xs.at[s]], lsev.at[s], sl)
        dp = pltpu.make_async_copy(tflat_hbm.at[fv.at[s]], pick.at[s], sp)
        return dl, dp

    def fire(i, carry):
        dl, dp = scalar_desc(i)
        dl.start()
        dp.start()
        return carry

    lax.fori_loop(0, N_SCCH, fire, 0)

    def drain(i, carry):
        dl, dp = scalar_desc(i)
        dl.wait()
        dp.wait()
        return carry

    lax.fori_loop(0, N_SCCH, drain, 0)

    def accum(i, a):
        s16 = pl.ds(i * 16, 16)
        return a + (lsev[s16] - pick[s16])

    acc = lax.fori_loop(0, TPW // 16, accum,
                        jnp.zeros((16,), jnp.float32))
    acc_v[...] = acc
    pltpu.sync_copy(acc_v, part_hbm.at[wid])


def _loss_body(part_ref, out_ref):
    out_ref[...] = jnp.sum(part_ref[...], keepdims=True) / NTOK


def _final_loss(partials):
    out = pl.pallas_call(
        _loss_body,
        out_shape=jax.ShapeDtypeStruct((1, 1), jnp.float32),
    )(partials)
    return out[0, 0]


def kernel(x, y, table):
    B, T = x.shape
    x32 = x.astype(jnp.int32)
    y32 = y.reshape(-1).astype(jnp.int32)
    table = table.astype(jnp.float32)
    tflat = jnp.concatenate(
        [table.reshape(-1), jnp.zeros((8,), jnp.float32)])
    tablep = jnp.pad(table, ((0, 0), (0, VPAD - VOCAB)))
    row_lse = _row_lse(table)
    xpad = jnp.pad(x32.reshape(NW * NRC, RC),
                   ((0, 0), (0, RCP - RC))).reshape(NW, NRC, RCP)
    logits_p = _sc_rows(xpad, tablep)
    partials = _sc_loss(x32.reshape(-1), y32, tflat, row_lse)
    loss = _final_loss(partials)
    return (logits_p[:, :T_SZ, :VOCAB], loss)

# --- scband reference (transcript-rebuilt; emitter-appended) ---
"""Pipeline reference for scband-bigram-language-model-62182536512032 (READ-ONLY COPY).

The authoritative reference and input builder live on the scoring server;
editing this copy changes nothing except your own understanding.
"""

import jax, jax.numpy as jnp
import numpy as np

VOCAB = 1000
B, T = 1024, 50

def setup_inputs(seed: int = 0) -> dict:
    key = jax.random.key(seed)
    k1, k2, k3 = jax.random.split(key, 3)
    x = jax.random.randint(k1, (B, T), 0, VOCAB, dtype=jnp.int64) if jax.config.jax_enable_x64 else jax.random.randint(k1, (B, T), 0, VOCAB, dtype=jnp.int32)
    y = jax.random.randint(k2, (B, T), 0, VOCAB, dtype=jnp.int64) if jax.config.jax_enable_x64 else jax.random.randint(k2, (B, T), 0, VOCAB, dtype=jnp.int32)
    # learned parameter: nn.Embedding(vocab_size, vocab_size) weight, default init N(0,1)
    table = jax.random.normal(k3, (VOCAB, VOCAB), dtype=jnp.float32)
    return {"x": x, "y": y, "table": table}

def reference(x, y, table):
    # logits = self.embedding(x)  -> gather rows of table
    logits = jnp.take(table, x, axis=0)  # [B, T, VOCAB]
    Bv, Tv, C = logits.shape
    logits_flat = logits.reshape(Bv * Tv, C)
    y_flat = y.reshape(-1)
    # F.cross_entropy: mean over tokens of -log_softmax(logits)[y]
    logp = logits_flat - jax.scipy.special.logsumexp(logits_flat, axis=-1, keepdims=True)
    nll = -jnp.take_along_axis(logp, y_flat[:, None], axis=1)[:, 0]
    loss = jnp.mean(nll)
    return (logits, loss)

if __name__ == "__main__":
    import jax
    _d = setup_inputs()
    print(jax.jit(kernel)(*tuple(_d.values())))

</pallas_src>

<mosaic_0001>
#map = affine_map<(d0, d1) -> (0)>
#map1 = affine_map<(d0, d1) -> (0, 0)>
module attributes {stable_mosaic.version = 14 : i64} {
  func.func @_sc_loss(%arg0: i32, %arg1: i32, %arg2: memref<51200xi32, #tpu.memory_space<hbm>>, %arg3: memref<51200xi32, #tpu.memory_space<hbm>>, %arg4: memref<1000008xf32, #tpu.memory_space<hbm>>, %arg5: memref<1000xf32, #tpu.memory_space<hbm>>, %arg6: memref<32x16xf32, #tpu.memory_space<hbm>>, %arg7: memref<1600xi32, #tpu.memory_space<vmem>>, %arg8: memref<1600xi32, #tpu.memory_space<vmem>>, %arg9: memref<1600xi32, #tpu.memory_space<vmem>>, %arg10: memref<1600xf32, #tpu.memory_space<vmem>>, %arg11: memref<1600xf32, #tpu.memory_space<vmem>>, %arg12: memref<16xf32, #tpu.memory_space<vmem>>, %arg13: memref<!tpu.dma_semaphore, #tpu.memory_space<semaphore_mem>>, %arg14: memref<!tpu.dma_semaphore, #tpu.memory_space<semaphore_mem>>) attributes {dimension_semantics = [#tpu.dimension_semantics<core_parallel>, #tpu.dimension_semantics<subcore_parallel>], iteration_bounds = array<i64: 2, 16>, scalar_prefetch = 0 : i64, scratch_operands = 8 : i64, tpu.core_type = #tpu.core_type<sc_vector_subcore>, window_params = [{transform_indices = #map}, {transform_indices = #map}, {transform_indices = #map}, {transform_indices = #map}, {transform_indices = #map1}]} {
    %mul3A = arith.constant 2 : i32
    %mul3A_0 = arith.muli %arg1, %mul3A : i32
    %add3A = arith.addi %mul3A_0, %arg0 : i32
    %mul3A_1 = arith.constant 1600 : i32
    %mul3A_2 = arith.muli %add3A, %mul3A_1 : i32
    "tpu.region"() ({
      %run_scoped3A = tpu.sem_alloc : memref<!tpu.dma_semaphore, #tpu.memory_space<semaphore_mem>>
      %dma_start3A = tpu.memref_slice %arg2[%mul3A_2] : memref<51200xi32, #tpu.memory_space<hbm>> -> memref<1600xi32, #tpu.memory_space<hbm>>
      %dma_start3A_30 = tpu.memref_slice %arg2[%mul3A_2] : memref<51200xi32, #tpu.memory_space<hbm>> -> memref<1600xi32, #tpu.memory_space<hbm>>
      tpu.enqueue_dma source(%dma_start3A_30 : memref<1600xi32, #tpu.memory_space<hbm>>) target(%arg7 : memref<1600xi32, #tpu.memory_space<vmem>>) target_semaphore(%run_scoped3A : memref<!tpu.dma_semaphore, #tpu.memory_space<semaphore_mem>>)
      %dma_wait3A = tpu.memref_slice %arg2[%mul3A_2] : memref<51200xi32, #tpu.memory_space<hbm>> -> memref<1600xi32, #tpu.memory_space<hbm>>
      %dma_wait3A_31 = tpu.memref_slice %arg2[%mul3A_2] : memref<51200xi32, #tpu.memory_space<hbm>> -> memref<1600xi32, #tpu.memory_space<hbm>>
      tpu.wait_dma2 semaphore(%run_scoped3A : memref<!tpu.dma_semaphore, #tpu.memory_space<semaphore_mem>>) src(%dma_wait3A_31 : memref<1600xi32, #tpu.memory_space<hbm>>) dst(%arg7 : memref<1600xi32, #tpu.memory_space<vmem>>)
      tpu.yield
    }) : () -> ()
    "tpu.region"() ({
      %run_scoped3A = tpu.sem_alloc : memref<!tpu.dma_semaphore, #tpu.memory_space<semaphore_mem>>
      %dma_start3A = tpu.memref_slice %arg3[%mul3A_2] : memref<51200xi32, #tpu.memory_space<hbm>> -> memref<1600xi32, #tpu.memory_space<hbm>>
      %dma_start3A_30 = tpu.memref_slice %arg3[%mul3A_2] : memref<51200xi32, #tpu.memory_space<hbm>> -> memref<1600xi32, #tpu.memory_space<hbm>>
      tpu.enqueue_dma source(%dma_start3A_30 : memref<1600xi32, #tpu.memory_space<hbm>>) target(%arg8 : memref<1600xi32, #tpu.memory_space<vmem>>) target_semaphore(%run_scoped3A : memref<!tpu.dma_semaphore, #tpu.memory_space<semaphore_mem>>)
      %dma_wait3A = tpu.memref_slice %arg3[%mul3A_2] : memref<51200xi32, #tpu.memory_space<hbm>> -> memref<1600xi32, #tpu.memory_space<hbm>>
      %dma_wait3A_31 = tpu.memref_slice %arg3[%mul3A_2] : memref<51200xi32, #tpu.memory_space<hbm>> -> memref<1600xi32, #tpu.memory_space<hbm>>
      tpu.wait_dma2 semaphore(%run_scoped3A : memref<!tpu.dma_semaphore, #tpu.memory_space<semaphore_mem>>) src(%dma_wait3A_31 : memref<1600xi32, #tpu.memory_space<hbm>>) dst(%arg8 : memref<1600xi32, #tpu.memory_space<vmem>>)
      tpu.yield
    }) : () -> ()
    %scan3A = arith.constant 0 : i32
    %scan3A_3 = arith.constant 0 : i32
    %scan3A_4 = arith.constant 100 : i32
    %scan3A_5 = arith.addi %scan3A_3, %scan3A_4 : i32
    %scan3A_6 = arith.constant 1 : i32
    scf.for %scan3A_30 = %scan3A_3 to %scan3A_5 step %scan3A_6  : i32 {
      %mul3A_31 = arith.constant 16 : i32
      %mul3A_32 = arith.muli %scan3A_30, %mul3A_31 : i32
      %get3A = arith.index_cast %mul3A_32 : i32 to index
      %get3A_33 = tpu.vector_load %arg7[%get3A] {strides = array<i32>} : memref<1600xi32, #tpu.memory_space<vmem>>, vector<16xi32>,
      %get3A_34 = vector.shape_cast %get3A_33 : vector<16xi32> to vector<16xi32>
      %mul3A_35 = arith.constant 1000 : i32
      %mul3A_36 = vector.broadcast %mul3A_35 : i32 to vector<16xi32>
      %mul3A_37 = arith.muli %get3A_34, %mul3A_36 : vector<16xi32>
      %get3A_38 = arith.index_cast %mul3A_32 : i32 to index
      %get3A_39 = tpu.vector_load %arg8[%get3A_38] {strides = array<i32>} : memref<1600xi32, #tpu.memory_space<vmem>>, vector<16xi32>,
      %get3A_40 = vector.shape_cast %get3A_39 : vector<16xi32> to vector<16xi32>
      %add3A_41 = arith.addi %mul3A_37, %get3A_40 : vector<16xi32>
      %swap3A_42 = arith.index_cast %mul3A_32 : i32 to index
      %swap3A_43 = tpu.vector_load %arg9[%swap3A_42] {strides = array<i32>} : memref<1600xi32, #tpu.memory_space<vmem>>, vector<16xi32>,
      %swap3A_44 = vector.shape_cast %swap3A_43 : vector<16xi32> to vector<16xi32>
      %swap3A_45 = vector.shape_cast %add3A_41 : vector<16xi32> to vector<16xi32>
      tpu.vector_store %arg9[%swap3A_42], %swap3A_45 {strides = array<i32>} : memref<1600xi32, #tpu.memory_space<vmem>>, vector<16xi32>,
    }
    %scan3A_7 = arith.constant 100 : i32
    %scan3A_8 = arith.constant 0 : i32
    %scan3A_9 = arith.constant 0 : i32
    %scan3A_10 = arith.constant 25 : i32
    %scan3A_11 = arith.addi %scan3A_9, %scan3A_10 : i32
    %scan3A_12 = arith.constant 1 : i32
    scf.for %scan3A_30 = %scan3A_9 to %scan3A_11 step %scan3A_12  : i32 {
      %mul3A_31 = arith.constant 64 : i32
      %mul3A_32 = arith.muli %scan3A_30, %mul3A_31 : i32
      %dma_start3A = tpu.memref_slice %arg10[%mul3A_32] : memref<1600xf32, #tpu.memory_space<vmem>> -> memref<64xf32, #tpu.memory_space<vmem>>
      %dma_start3A_33 = tpu.memref_slice %arg7[%mul3A_32] : memref<1600xi32, #tpu.memory_space<vmem>> -> memref<64xi32, #tpu.memory_space<vmem>>
      %dma_start3A_34 = arith.constant 0 : i32
      %dma_start3A_35 = tpu.memref_slice %arg5[%dma_start3A_34] : memref<1000xf32, #tpu.memory_space<hbm>> -> memref<1000xf32, #tpu.memory_space<hbm>>
      tpu.enqueue_indirect_dma source(%dma_start3A_35 : memref<1000xf32, #tpu.memory_space<hbm>>) target(%dma_start3A : memref<64xf32, #tpu.memory_space<vmem>>) offsets(%dma_start3A_33 : memref<64xi32, #tpu.memory_space<vmem>>) semaphore(%arg13 : memref<!tpu.dma_semaphore, #tpu.memory_space<semaphore_mem>>)
      %dma_start3A_36 = tpu.memref_slice %arg11[%mul3A_32] : memref<1600xf32, #tpu.memory_space<vmem>> -> memref<64xf32, #tpu.memory_space<vmem>>
      %dma_start3A_37 = tpu.memref_slice %arg9[%mul3A_32] : memref<1600xi32, #tpu.memory_space<vmem>> -> memref<64xi32, #tpu.memory_space<vmem>>
      %dma_start3A_38 = arith.constant 0 : i32
      %dma_start3A_39 = tpu.memref_slice %arg4[%dma_start3A_38] : memref<1000008xf32, #tpu.memory_space<hbm>> -> memref<1000008xf32, #tpu.memory_space<hbm>>
      tpu.enqueue_indirect_dma source(%dma_start3A_39 : memref<1000008xf32, #tpu.memory_space<hbm>>) target(%dma_start3A_36 : memref<64xf32, #tpu.memory_space<vmem>>) offsets(%dma_start3A_37 : memref<64xi32, #tpu.memory_space<vmem>>) semaphore(%arg14 : memref<!tpu.dma_semaphore, #tpu.memory_space<semaphore_mem>>)
    }
    %scan3A_13 = arith.constant 25 : i32
    %scan3A_14 = arith.constant 0 : i32
    %scan3A_15 = arith.constant 0 : i32
    %scan3A_16 = arith.constant 25 : i32
    %scan3A_17 = arith.addi %scan3A_15, %scan3A_16 : i32
    %scan3A_18 = arith.constant 1 : i32
    scf.for %scan3A_30 = %scan3A_15 to %scan3A_17 step %scan3A_18  : i32 {
      %mul3A_31 = arith.constant 64 : i32
      %mul3A_32 = arith.muli %scan3A_30, %mul3A_31 : i32
      %dma_wait3A = tpu.memref_slice %arg10[%mul3A_32] : memref<1600xf32, #tpu.memory_space<vmem>> -> memref<64xf32, #tpu.memory_space<vmem>>
      %dma_wait3A_33 = tpu.memref_slice %arg7[%mul3A_32] : memref<1600xi32, #tpu.memory_space<vmem>> -> memref<64xi32, #tpu.memory_space<vmem>>
      %dma_wait3A_34 = arith.constant 0 : i32
      %dma_wait3A_35 = tpu.memref_slice %arg5[%dma_wait3A_34] : memref<1000xf32, #tpu.memory_space<hbm>> -> memref<1000xf32, #tpu.memory_space<hbm>>
      tpu.wait_indirect_dma semaphore(%arg13 : memref<!tpu.dma_semaphore, #tpu.memory_space<semaphore_mem>>) src(%dma_wait3A_35 : memref<1000xf32, #tpu.memory_space<hbm>>) dst(%dma_wait3A : memref<64xf32, #tpu.memory_space<vmem>>)
      %dma_wait3A_36 = tpu.memref_slice %arg11[%mul3A_32] : memref<1600xf32, #tpu.memory_space<vmem>> -> memref<64xf32, #tpu.memory_space<vmem>>
      %dma_wait3A_37 = tpu.memref_slice %arg9[%mul3A_32] : memref<1600xi32, #tpu.memory_space<vmem>> -> memref<64xi32, #tpu.memory_space<vmem>>
      %dma_wait3A_38 = arith.constant 0 : i32
      %dma_wait3A_39 = tpu.memref_slice %arg4[%dma_wait3A_38] : memref<1000008xf32, #tpu.memory_space<hbm>> -> memref<1000008xf32, #tpu.memory_space<hbm>>
      tpu.wait_indirect_dma semaphore(%arg14 : memref<!tpu.dma_semaphore, #tpu.memory_space<semaphore_mem>>) src(%dma_wait3A_39 : memref<1000008xf32, #tpu.memory_space<hbm>>) dst(%dma_wait3A_36 : memref<64xf32, #tpu.memory_space<vmem>>)
    }
    %scan3A_19 = arith.constant 25 : i32
    %broadcast_in_dim3A = arith.constant 0.000000e+00 : f32
    %broadcast_in_dim3A_20 = vector.broadcast %broadcast_in_dim3A : f32 to vector<16xf32>
    %scan3A_21 = arith.constant 0 : i32
    %scan3A_22 = arith.constant 100 : i32
    %scan3A_23 = arith.addi %scan3A_21, %scan3A_22 : i32
    %scan3A_24 = arith.constant 1 : i32
    %scan3A_25 = scf.for %scan3A_30 = %scan3A_21 to %scan3A_23 step %scan3A_24 iter_args(%scan3A_31 = %broadcast_in_dim3A_20) -> (vector<16xf32>)  : i32 {
      %mul3A_32 = arith.constant 16 : i32
      %mul3A_33 = arith.muli %scan3A_30, %mul3A_32 : i32
      %get3A = arith.index_cast %mul3A_33 : i32 to index
      %get3A_34 = tpu.vector_load %arg10[%get3A] {strides = array<i32>} : memref<1600xf32, #tpu.memory_space<vmem>>, vector<16xf32>,
      %get3A_35 = vector.shape_cast %get3A_34 : vector<16xf32> to vector<16xf32>
      %get3A_36 = arith.index_cast %mul3A_33 : i32 to index
      %get3A_37 = tpu.vector_load %arg11[%get3A_36] {strides = array<i32>} : memref<1600xf32, #tpu.memory_space<vmem>>, vector<16xf32>,
      %get3A_38 = vector.shape_cast %get3A_37 : vector<16xf32> to vector<16xf32>
      %sub3A = arith.subf %get3A_35, %get3A_38 : vector<16xf32>
      %add3A_39 = arith.addf %scan3A_31, %sub3A : vector<16xf32>
      scf.yield %add3A_39 : vector<16xf32>
    }
    %scan3A_26 = arith.constant 100 : i32
    %swap3A = arith.constant 0 : index
    %swap3A_27 = tpu.vector_load %arg12[%swap3A] {strides = array<i32>} : memref<16xf32, #tpu.memory_space<vmem>>, vector<16xf32>,
    %swap3A_28 = vector.shape_cast %swap3A_27 : vector<16xf32> to vector<16xf32>
    %swap3A_29 = vector.shape_cast %scan3A_25 : vector<16xf32> to vector<16xf32>
    tpu.vector_store %arg12[%swap3A], %swap3A_29 {strides = array<i32>} : memref<16xf32, #tpu.memory_space<vmem>>, vector<16xf32>,
    "tpu.region"() ({
      %run_scoped3A = tpu.sem_alloc : memref<!tpu.dma_semaphore, #tpu.memory_space<semaphore_mem>>
      %dma_start3A = arith.constant 0 : i32
      %dma_start3A_30 = tpu.memref_slice %arg6[%add3A, %dma_start3A] : memref<32x16xf32, #tpu.memory_space<hbm>> -> memref<1x16xf32, #tpu.memory_space<hbm>>
      %dma_start3A_31 = tpu.memref_squeeze %dma_start3A_30 : memref<1x16xf32, #tpu.memory_space<hbm>> -> memref<16xf32, #tpu.memory_space<hbm>>
      %dma_start3A_32 = arith.constant 0 : i32
      %dma_start3A_33 = tpu.memref_slice %arg6[%add3A, %dma_start3A_32] : memref<32x16xf32, #tpu.memory_space<hbm>> -> memref<1x16xf32, #tpu.memory_space<hbm>>
      %dma_start3A_34 = tpu.memref_squeeze %dma_start3A_33 : memref<1x16xf32, #tpu.memory_space<hbm>> -> memref<16xf32, #tpu.memory_space<hbm>>
      tpu.enqueue_dma source(%arg12 : memref<16xf32, #tpu.memory_space<vmem>>) target(%dma_start3A_34 : memref<16xf32, #tpu.memory_space<hbm>>) target_semaphore(%run_scoped3A : memref<!tpu.dma_semaphore, #tpu.memory_space<semaphore_mem>>)
      %dma_wait3A = arith.constant 0 : i32
      %dma_wait3A_35 = tpu.memref_slice %arg6[%add3A, %dma_wait3A] : memref<32x16xf32, #tpu.memory_space<hbm>> -> memref<1x16xf32, #tpu.memory_space<hbm>>
      %dma_wait3A_36 = tpu.memref_squeeze %dma_wait3A_35 : memref<1x16xf32, #tpu.memory_space<hbm>> -> memref<16xf32, #tpu.memory_space<hbm>>
      %dma_wait3A_37 = arith.constant 0 : i32
      %dma_wait3A_38 = tpu.memref_slice %arg6[%add3A, %dma_wait3A_37] : memref<32x16xf32, #tpu.memory_space<hbm>> -> memref<1x16xf32, #tpu.memory_space<hbm>>
      %dma_wait3A_39 = tpu.memref_squeeze %dma_wait3A_38 : memref<1x16xf32, #tpu.memory_space<hbm>> -> memref<16xf32, #tpu.memory_space<hbm>>
      tpu.wait_dma2 semaphore(%run_scoped3A : memref<!tpu.dma_semaphore, #tpu.memory_space<semaphore_mem>>) src(%arg12 : memref<16xf32, #tpu.memory_space<vmem>>) dst(%dma_wait3A_39 : memref<16xf32, #tpu.memory_space<hbm>>)
      tpu.yield
    }) : () -> ()
    return
  }
}

#map = affine_map<(d0, d1) -> (0, 0, 0)>
#map1 = affine_map<(d0, d1) -> (0, 0)>
module attributes {stable_mosaic.version = 14 : i64} {
  func.func @_sc_rows(%arg0: i32, %arg1: i32, %arg2: memref<32x32x56xi32, #tpu.memory_space<hbm>>, %arg3: memref<1000x1024xf32, #tpu.memory_space<hbm>>, %arg4: memref<1024x56x1024xf32, #tpu.memory_space<hbm>>, %arg5: memref<32x56xi32, #tpu.memory_space<vmem>>, %arg6: memref<56x1024xf32, #tpu.memory_space<vmem>>, %arg7: memref<56x1024xf32, #tpu.memory_space<vmem>>, %arg8: memref<!tpu.dma_semaphore, #tpu.memory_space<semaphore_mem>>, %arg9: memref<!tpu.dma_semaphore, #tpu.memory_space<semaphore_mem>>) attributes {dimension_semantics = [#tpu.dimension_semantics<core_parallel>, #tpu.dimension_semantics<subcore_parallel>], iteration_bounds = array<i64: 2, 16>, scalar_prefetch = 0 : i64, scratch_operands = 5 : i64, tpu.core_type = #tpu.core_type<sc_vector_subcore>, window_params = [{transform_indices = #map}, {transform_indices = #map1}, {transform_indices = #map}]} {
    %mul3A = arith.constant 2 : i32
    %mul3A_0 = arith.muli %arg1, %mul3A : i32
    %add3A = arith.addi %mul3A_0, %arg0 : i32
    %mul3A_1 = arith.constant 32 : i32
    %mul3A_2 = arith.muli %add3A, %mul3A_1 : i32
    "tpu.region"() ({
      %run_scoped3A = tpu.sem_alloc : memref<!tpu.dma_semaphore, #tpu.memory_space<semaphore_mem>>
      %dma_start3A_14 = arith.constant 0 : i32
      %dma_start3A_15 = arith.constant 0 : i32
      %dma_start3A_16 = tpu.memref_slice %arg2[%add3A, %dma_start3A_14, %dma_start3A_15] : memref<32x32x56xi32, #tpu.memory_space<hbm>> -> memref<1x32x56xi32, #tpu.memory_space<hbm>>
      %dma_start3A_17 = tpu.memref_squeeze %dma_start3A_16 : memref<1x32x56xi32, #tpu.memory_space<hbm>> -> memref<32x56xi32, #tpu.memory_space<hbm>>
      %dma_start3A_18 = arith.constant 0 : i32
      %dma_start3A_19 = arith.constant 0 : i32
      %dma_start3A_20 = tpu.memref_slice %arg2[%add3A, %dma_start3A_18, %dma_start3A_19] : memref<32x32x56xi32, #tpu.memory_space<hbm>> -> memref<1x32x56xi32, #tpu.memory_space<hbm>>
      %dma_start3A_21 = tpu.memref_squeeze %dma_start3A_20 : memref<1x32x56xi32, #tpu.memory_space<hbm>> -> memref<32x56xi32, #tpu.memory_space<hbm>>
      tpu.enqueue_dma source(%dma_start3A_21 : memref<32x56xi32, #tpu.memory_space<hbm>>) target(%arg5 : memref<32x56xi32, #tpu.memory_space<vmem>>) target_semaphore(%run_scoped3A : memref<!tpu.dma_semaphore, #tpu.memory_space<semaphore_mem>>)
      %dma_wait3A = arith.constant 0 : i32
      %dma_wait3A_22 = arith.constant 0 : i32
      %dma_wait3A_23 = tpu.memref_slice %arg2[%add3A, %dma_wait3A, %dma_wait3A_22] : memref<32x32x56xi32, #tpu.memory_space<hbm>> -> memref<1x32x56xi32, #tpu.memory_space<hbm>>
      %dma_wait3A_24 = tpu.memref_squeeze %dma_wait3A_23 : memref<1x32x56xi32, #tpu.memory_space<hbm>> -> memref<32x56xi32, #tpu.memory_space<hbm>>
      %dma_wait3A_25 = arith.constant 0 : i32
      %dma_wait3A_26 = arith.constant 0 : i32
      %dma_wait3A_27 = tpu.memref_slice %arg2[%add3A, %dma_wait3A_25, %dma_wait3A_26] : memref<32x32x56xi32, #tpu.memory_space<hbm>> -> memref<1x32x56xi32, #tpu.memory_space<hbm>>
      %dma_wait3A_28 = tpu.memref_squeeze %dma_wait3A_27 : memref<1x32x56xi32, #tpu.memory_space<hbm>> -> memref<32x56xi32, #tpu.memory_space<hbm>>
      tpu.wait_dma2 semaphore(%run_scoped3A : memref<!tpu.dma_semaphore, #tpu.memory_space<semaphore_mem>>) src(%dma_wait3A_28 : memref<32x56xi32, #tpu.memory_space<hbm>>) dst(%arg5 : memref<32x56xi32, #tpu.memory_space<vmem>>)
      tpu.yield
    }) : () -> ()
    %dma_start3A = arith.constant 0 : i32
    %dma_start3A_3 = arith.constant 0 : i32
    %dma_start3A_4 = tpu.memref_slice %arg5[%dma_start3A, %dma_start3A_3] : memref<32x56xi32, #tpu.memory_space<vmem>> -> memref<1x56xi32, #tpu.memory_space<vmem>>
    %dma_start3A_5 = tpu.memref_squeeze %dma_start3A_4 : memref<1x56xi32, #tpu.memory_space<vmem>> -> memref<56xi32, #tpu.memory_space<vmem>>
    %dma_start3A_6 = arith.constant 0 : i32
    %dma_start3A_7 = arith.constant 0 : i32
    %dma_start3A_8 = tpu.memref_slice %arg3[%dma_start3A_6, %dma_start3A_7] : memref<1000x1024xf32, #tpu.memory_space<hbm>> -> memref<1000x1024xf32, #tpu.memory_space<hbm>>
    tpu.enqueue_indirect_dma source(%dma_start3A_8 : memref<1000x1024xf32, #tpu.memory_space<hbm>>) target(%arg6 : memref<56x1024xf32, #tpu.memory_space<vmem>>) offsets(%dma_start3A_5 : memref<56xi32, #tpu.memory_space<vmem>>) semaphore(%arg8 : memref<!tpu.dma_semaphore, #tpu.memory_space<semaphore_mem>>)
    %scan3A = arith.constant 0 : i32
    %scan3A_9 = arith.constant 0 : i32
    %scan3A_10 = arith.constant 16 : i32
    %scan3A_11 = arith.addi %scan3A_9, %scan3A_10 : i32
    %scan3A_12 = arith.constant 1 : i32
    scf.for %scan3A_14 = %scan3A_9 to %scan3A_11 step %scan3A_12  : i32 {
      %mul3A_15 = arith.constant 2 : i32
      %mul3A_16 = arith.muli %mul3A_15, %scan3A_14 : i32
      %dma_wait3A = arith.constant 0 : i32
      %dma_wait3A_17 = tpu.memref_slice %arg5[%mul3A_16, %dma_wait3A] : memref<32x56xi32, #tpu.memory_space<vmem>> -> memref<1x56xi32, #tpu.memory_space<vmem>>
      %dma_wait3A_18 = tpu.memref_squeeze %dma_wait3A_17 : memref<1x56xi32, #tpu.memory_space<vmem>> -> memref<56xi32, #tpu.memory_space<vmem>>
      %dma_wait3A_19 = arith.constant 0 : i32
      %dma_wait3A_20 = arith.constant 0 : i32
      %dma_wait3A_21 = tpu.memref_slice %arg3[%dma_wait3A_19, %dma_wait3A_20] : memref<1000x1024xf32, #tpu.memory_space<hbm>> -> memref<1000x1024xf32, #tpu.memory_space<hbm>>
      tpu.wait_indirect_dma semaphore(%arg8 : memref<!tpu.dma_semaphore, #tpu.memory_space<semaphore_mem>>) src(%dma_wait3A_21 : memref<1000x1024xf32, #tpu.memory_space<hbm>>) dst(%arg6 : memref<56x1024xf32, #tpu.memory_space<vmem>>)
      %add3A_22 = arith.constant 1 : i32
      %add3A_23 = arith.addi %mul3A_16, %add3A_22 : i32
      %dma_start3A_24 = arith.constant 0 : i32
      %dma_start3A_25 = tpu.memref_slice %arg5[%add3A_23, %dma_start3A_24] : memref<32x56xi32, #tpu.memory_space<vmem>> -> memref<1x56xi32, #tpu.memory_space<vmem>>
      %dma_start3A_26 = tpu.memref_squeeze %dma_start3A_25 : memref<1x56xi32, #tpu.memory_space<vmem>> -> memref<56xi32, #tpu.memory_space<vmem>>
      %dma_start3A_27 = arith.constant 0 : i32
      %dma_start3A_28 = arith.constant 0 : i32
      %dma_start3A_29 = tpu.memref_slice %arg3[%dma_start3A_27, %dma_start3A_28] : memref<1000x1024xf32, #tpu.memory_space<hbm>> -> memref<1000x1024xf32, #tpu.memory_space<hbm>>
      tpu.enqueue_indirect_dma source(%dma_start3A_29 : memref<1000x1024xf32, #tpu.memory_space<hbm>>) target(%arg7 : memref<56x1024xf32, #tpu.memory_space<vmem>>) offsets(%dma_start3A_26 : memref<56xi32, #tpu.memory_space<vmem>>) semaphore(%arg9 : memref<!tpu.dma_semaphore, #tpu.memory_space<semaphore_mem>>)
      %add3A_30 = arith.addi %mul3A_2, %mul3A_16 : i32
      "tpu.region"() ({
        %run_scoped3A = tpu.sem_alloc : memref<!tpu.dma_semaphore, #tpu.memory_space<semaphore_mem>>
        %dma_start3A_46 = arith.constant 0 : i32
        %dma_start3A_47 = arith.constant 0 : i32
        %dma_start3A_48 = tpu.memref_slice %arg4[%add3A_30, %dma_start3A_46, %dma_start3A_47] : memref<1024x56x1024xf32, #tpu.memory_space<hbm>> -> memref<1x56x1024xf32, #tpu.memory_space<hbm>>
        %dma_start3A_49 = tpu.memref_squeeze %dma_start3A_48 : memref<1x56x1024xf32, #tpu.memory_space<hbm>> -> memref<56x1024xf32, #tpu.memory_space<hbm>>
        %dma_start3A_50 = arith.constant 0 : i32
        %dma_start3A_51 = arith.constant 0 : i32
        %dma_start3A_52 = tpu.memref_slice %arg4[%add3A_30, %dma_start3A_50, %dma_start3A_51] : memref<1024x56x1024xf32, #tpu.memory_space<hbm>> -> memref<1x56x1024xf32, #tpu.memory_space<hbm>>
        %dma_start3A_53 = tpu.memref_squeeze %dma_start3A_52 : memref<1x56x1024xf32, #tpu.memory_space<hbm>> -> memref<56x1024xf32, #tpu.memory_space<hbm>>
        tpu.enqueue_dma source(%arg6 : memref<56x1024xf32, #tpu.memory_space<vmem>>) target(%dma_start3A_53 : memref<56x1024xf32, #tpu.memory_space<hbm>>) target_semaphore(%run_scoped3A : memref<!tpu.dma_semaphore, #tpu.memory_space<semaphore_mem>>)
        %dma_wait3A_54 = arith.constant 0 : i32
        %dma_wait3A_55 = arith.constant 0 : i32
        %dma_wait3A_56 = tpu.memref_slice %arg4[%add3A_30, %dma_wait3A_54, %dma_wait3A_55] : memref<1024x56x1024xf32, #tpu.memory_space<hbm>> -> memref<1x56x1024xf32, #tpu.memory_space<hbm>>
        %dma_wait3A_57 = tpu.memref_squeeze %dma_wait3A_56 : memref<1x56x1024xf32, #tpu.memory_space<hbm>> -> memref<56x1024xf32, #tpu.memory_space<hbm>>
        %dma_wait3A_58 = arith.constant 0 : i32
        %dma_wait3A_59 = arith.constant 0 : i32
        %dma_wait3A_60 = tpu.memref_slice %arg4[%add3A_30, %dma_wait3A_58, %dma_wait3A_59] : memref<1024x56x1024xf32, #tpu.memory_space<hbm>> -> memref<1x56x1024xf32, #tpu.memory_space<hbm>>
        %dma_wait3A_61 = tpu.memref_squeeze %dma_wait3A_60 : memref<1x56x1024xf32, #tpu.memory_space<hbm>> -> memref<56x1024xf32, #tpu.memory_space<hbm>>
        tpu.wait_dma2 semaphore(%run_scoped3A : memref<!tpu.dma_semaphore, #tpu.memory_space<semaphore_mem>>) src(%arg6 : memref<56x1024xf32, #tpu.memory_space<vmem>>) dst(%dma_wait3A_61 : memref<56x1024xf32, #tpu.memory_space<hbm>>)
        tpu.yield
      }) : () -> ()
      %add3A_31 = arith.constant 1 : i32
      %add3A_32 = arith.addi %mul3A_16, %add3A_31 : i32
      %dma_wait3A_33 = arith.constant 0 : i32
      %dma_wait3A_34 = tpu.memref_slice %arg5[%add3A_32, %dma_wait3A_33] : memref<32x56xi32, #tpu.memory_space<vmem>> -> memref<1x56xi32, #tpu.memory_space<vmem>>
      %dma_wait3A_35 = tpu.memref_squeeze %dma_wait3A_34 : memref<1x56xi32, #tpu.memory_space<vmem>> -> memref<56xi32, #tpu.memory_space<vmem>>
      %dma_wait3A_36 = arith.constant 0 : i32
      %dma_wait3A_37 = arith.constant 0 : i32
      %dma_wait3A_38 = tpu.memref_slice %arg3[%dma_wait3A_36, %dma_wait3A_37] : memref<1000x1024xf32, #tpu.memory_space<hbm>> -> memref<1000x1024xf32, #tpu.memory_space<hbm>>
      tpu.wait_indirect_dma semaphore(%arg9 : memref<!tpu.dma_semaphore, #tpu.memory_space<semaphore_mem>>) src(%dma_wait3A_38 : memref<1000x1024xf32, #tpu.memory_space<hbm>>) dst(%arg7 : memref<56x1024xf32, #tpu.memory_space<vmem>>)
      %add3A_39 = arith.constant 2 : i32
      %add3A_40 = arith.addi %mul3A_16, %add3A_39 : i32
      %lt3A = arith.constant 32 : i32
      %lt3A_41 = arith.cmpi slt, %add3A_40, %lt3A : i32
      %convert_element_type3A = arith.extui %lt3A_41 : i1 to i32
      %cond3A = arith.constant 0 : i32
      %cond3A_42 = arith.cmpi ne, %convert_element_type3A, %cond3A : i32
      scf.if %cond3A_42 {
        %add3A_46 = arith.constant 2 : i32
        %add3A_47 = arith.addi %mul3A_16, %add3A_46 : i32
        %dma_start3A_48 = arith.constant 0 : i32
        %dma_start3A_49 = tpu.memref_slice %arg5[%add3A_47, %dma_start3A_48] : memref<32x56xi32, #tpu.memory_space<vmem>> -> memref<1x56xi32, #tpu.memory_space<vmem>>
        %dma_start3A_50 = tpu.memref_squeeze %dma_start3A_49 : memref<1x56xi32, #tpu.memory_space<vmem>> -> memref<56xi32, #tpu.memory_space<vmem>>
        %dma_start3A_51 = arith.constant 0 : i32
        %dma_start3A_52 = arith.constant 0 : i32
        %dma_start3A_53 = tpu.memref_slice %arg3[%dma_start3A_51, %dma_start3A_52] : memref<1000x1024xf32, #tpu.memory_space<hbm>> -> memref<1000x1024xf32, #tpu.memory_space<hbm>>
        tpu.enqueue_indirect_dma source(%dma_start3A_53 : memref<1000x1024xf32, #tpu.memory_space<hbm>>) target(%arg6 : memref<56x1024xf32, #tpu.memory_space<vmem>>) offsets(%dma_start3A_50 : memref<56xi32, #tpu.memory_space<vmem>>) semaphore(%arg8 : memref<!tpu.dma_semaphore, #tpu.memory_space<semaphore_mem>>)
      } else {
      }
      %add3A_43 = arith.constant 1 : i32
      %add3A_44 = arith.addi %mul3A_16, %add3A_43 : i32
      %add3A_45 = arith.addi %mul3A_2, %add3A_44 : i32
      "tpu.region"() ({
        %run_scoped3A = tpu.sem_alloc : memref<!tpu.dma_semaphore, #tpu.memory_space<semaphore_mem>>
        %dma_start3A_46 = arith.constant 0 : i32
        %dma_start3A_47 = arith.constant 0 : i32
        %dma_start3A_48 = tpu.memref_slice %arg4[%add3A_45, %dma_start3A_46, %dma_start3A_47] : memref<1024x56x1024xf32, #tpu.memory_space<hbm>> -> memref<1x56x1024xf32, #tpu.memory_space<hbm>>
        %dma_start3A_49 = tpu.memref_squeeze %dma_start3A_48 : memref<1x56x1024xf32, #tpu.memory_space<hbm>> -> memref<56x1024xf32, #tpu.memory_space<hbm>>
        %dma_start3A_50 = arith.constant 0 : i32
        %dma_start3A_51 = arith.constant 0 : i32
        %dma_start3A_52 = tpu.memref_slice %arg4[%add3A_45, %dma_start3A_50, %dma_start3A_51] : memref<1024x56x1024xf32, #tpu.memory_space<hbm>> -> memref<1x56x1024xf32, #tpu.memory_space<hbm>>
        %dma_start3A_53 = tpu.memref_squeeze %dma_start3A_52 : memref<1x56x1024xf32, #tpu.memory_space<hbm>> -> memref<56x1024xf32, #tpu.memory_space<hbm>>
        tpu.enqueue_dma source(%arg7 : memref<56x1024xf32, #tpu.memory_space<vmem>>) target(%dma_start3A_53 : memref<56x1024xf32, #tpu.memory_space<hbm>>) target_semaphore(%run_scoped3A : memref<!tpu.dma_semaphore, #tpu.memory_space<semaphore_mem>>)
        %dma_wait3A_54 = arith.constant 0 : i32
        %dma_wait3A_55 = arith.constant 0 : i32
        %dma_wait3A_56 = tpu.memref_slice %arg4[%add3A_45, %dma_wait3A_54, %dma_wait3A_55] : memref<1024x56x1024xf32, #tpu.memory_space<hbm>> -> memref<1x56x1024xf32, #tpu.memory_space<hbm>>
        %dma_wait3A_57 = tpu.memref_squeeze %dma_wait3A_56 : memref<1x56x1024xf32, #tpu.memory_space<hbm>> -> memref<56x1024xf32, #tpu.memory_space<hbm>>
        %dma_wait3A_58 = arith.constant 0 : i32
        %dma_wait3A_59 = arith.constant 0 : i32
        %dma_wait3A_60 = tpu.memref_slice %arg4[%add3A_45, %dma_wait3A_58, %dma_wait3A_59] : memref<1024x56x1024xf32, #tpu.memory_space<hbm>> -> memref<1x56x1024xf32, #tpu.memory_space<hbm>>
        %dma_wait3A_61 = tpu.memref_squeeze %dma_wait3A_60 : memref<1x56x1024xf32, #tpu.memory_space<hbm>> -> memref<56x1024xf32, #tpu.memory_space<hbm>>
        tpu.wait_dma2 semaphore(%run_scoped3A : memref<!tpu.dma_semaphore, #tpu.memory_space<semaphore_mem>>) src(%arg7 : memref<56x1024xf32, #tpu.memory_space<vmem>>) dst(%dma_wait3A_61 : memref<56x1024xf32, #tpu.memory_space<hbm>>)
        tpu.yield
      }) : () -> ()
    }
    %scan3A_13 = arith.constant 16 : i32
    return
  }
}

module attributes {stable_mosaic.version = 14 : i64} {
  func.func @_row_lse_body(%arg0: memref<1000x1000xf32, #tpu.memory_space<vmem>>, %arg1: memref<1000x1xf32, #tpu.memory_space<vmem>>) attributes {dimension_semantics = [], scalar_prefetch = 0 : i64, scratch_operands = 0 : i64, tpu.core_type = #tpu.core_type<tc>} {
    %get3A = arith.constant 0 : index
    %get3A_0 = arith.constant 0 : index
    %get3A_1 = vector.load %arg0[%get3A, %get3A_0] : memref<1000x1000xf32, #tpu.memory_space<vmem>>, vector<1000x1000xf32>
    %reduce_max3A = arith.constant dense<0xFF800000> : vector<1000xf32>
    %reduce_max3A_2 = vector.multi_reduction <maximumf>, %get3A_1, %reduce_max3A [1] : vector<1000x1000xf32> to vector<1000xf32>
    %broadcast_in_dim3A = vector.shape_cast %reduce_max3A_2 : vector<1000xf32> to vector<1000x1xf32>
    %sub3A = vector.broadcast %broadcast_in_dim3A : vector<1000x1xf32> to vector<1000x1000xf32>
    %sub3A_3 = arith.subf %get3A_1, %sub3A : vector<1000x1000xf32>
    %exp3A = math.exp %sub3A_3 : vector<1000x1000xf32>
    %reduce_sum3A = arith.constant dense<0.000000e+00> : vector<1000xf32>
    %reduce_sum3A_4 = vector.multi_reduction <add>, %exp3A, %reduce_sum3A [1] : vector<1000x1000xf32> to vector<1000xf32>
    %broadcast_in_dim3A_5 = vector.shape_cast %reduce_sum3A_4 : vector<1000xf32> to vector<1000x1xf32>
    %log3A = math.log %broadcast_in_dim3A_5 : vector<1000x1xf32>
    %add3A = arith.addf %log3A, %broadcast_in_dim3A : vector<1000x1xf32>
    %swap3A = arith.constant 0 : index
    %swap3A_6 = arith.constant 0 : index
    %swap3A_7 = vector.load %arg1[%swap3A, %swap3A_6] : memref<1000x1xf32, #tpu.memory_space<vmem>>, vector<1000x1xf32>
    tpu.vector_store %arg1[%swap3A, %swap3A_6], %add3A {strides = array<i32>} : memref<1000x1xf32, #tpu.memory_space<vmem>>, vector<1000x1xf32>,
    return
  }
}

module attributes {stable_mosaic.version = 14 : i64} {
  func.func @_loss_body(%arg0: memref<32x16xf32, #tpu.memory_space<vmem>>, %arg1: memref<1x1xf32, #tpu.memory_space<vmem>>) attributes {dimension_semantics = [], scalar_prefetch = 0 : i64, scratch_operands = 0 : i64, tpu.core_type = #tpu.core_type<tc>} {
    %get3A = arith.constant 0 : index
    %get3A_0 = arith.constant 0 : index
    %get3A_1 = vector.load %arg0[%get3A, %get3A_0] : memref<32x16xf32, #tpu.memory_space<vmem>>, vector<32x16xf32>
    %reduce_sum3A = vector.shape_cast %get3A_1 : vector<32x16xf32> to vector<1x32x16xf32>
    %reduce_sum3A_2 = arith.constant dense<0.000000e+00> : vector<1xf32>
    %reduce_sum3A_3 = vector.multi_reduction <add>, %reduce_sum3A, %reduce_sum3A_2 [1, 2] : vector<1x32x16xf32> to vector<1xf32>
    %reduce_sum3A_4 = vector.shape_cast %reduce_sum3A_3 : vector<1xf32> to vector<1x1x1xf32>
    %reduce_sum3A_5 = vector.extract %reduce_sum3A_4[0, 0, 0] : f32 from vector<1x1x1xf32>
    %broadcast_in_dim3A = vector.broadcast %reduce_sum3A_5 : f32 to vector<1x1xf32>
    %div3A = arith.constant 5.120000e+04 : f32
    %div3A_6 = vector.broadcast %div3A : f32 to vector<1x1xf32>
    %div3A_7 = arith.divf %broadcast_in_dim3A, %div3A_6 : vector<1x1xf32>
    %swap3A = arith.constant 0 : index
    %swap3A_8 = arith.constant 0 : index
    %swap3A_9 = vector.load %arg1[%swap3A, %swap3A_8] : memref<1x1xf32, #tpu.memory_space<vmem>>, vector<1x1xf32>
    tpu.vector_store %arg1[%swap3A, %swap3A_8], %div3A_7 {strides = array<i32>} : memref<1x1xf32, #tpu.memory_space<vmem>>, vector<1x1xf32>,
    return
  }
}

</mosaic_0001>

<sc_bundles>
// kernel: kernel.6.cloned.1.call-start
scs
__scs_entry_jumppad:
0x0: {  	(pc) =	sbr.rel $0x88, $3  }
0x1: {  	(tag) =	ssettag $0x0;
	lr =	simm.s32 $0x1  }
0x2: {  	[smem:$0x3F9E] =	sst lr;
	_ =	strace $0xD0000000  }
0x3: {  	_ = 	snop  }
0x4: {  	_ = 	snop  }
0x5: {  	_ = 	snop  }
0x6: {  	_ = 	snop  }
0x7: {  	_ = 	snop  }
__scs_overlays_trampoline_lowered:
0x8: {  	[smem:$0x3FAD] =	sst s0  }
0x9: {  	[smem:$0x3FAE] =	sst s1  }
0xa: {  	[smem:$0x3FAF] =	sst s2  }
0xb: {  	[smem:$0x3FB0] =	sst s3  }
0xc: {  	[smem:$0x3FB1] =	sst s4  }
0xd: {  	[smem:$0x3FB2] =	sst s5  }
0xe: {  	[smem:$0x3FB3] =	sst s6  }
0xf: {  	[smem:$0x3FB4] =	sst s7  }
0x10: {  	[smem:$0x3FB5] =	sst s8  }
0x11: {  	[smem:$0x3FB6] =	sst s9;
	s0 =	simm.s32 @!p0 $0x0  }
0x12: {  	s1 =	sld [smem:$0x3F9C];
	s0 =	simm.s32 @p0 $0x1  }
0x13: {  	[smem:$0x3FB7] =	sst s0;
	s0 =	simm.s32 @!p1 $0x0  }
0x14: {  	s2 =	sld [smem:$0x3F9B];
	s0 =	simm.s32 @p1 $0x1  }
0x15: {  	[smem:$0x3FB8] =	sst s0;
	s0 =	simm.s32 @!p2 $0x0  }
0x16: {  	s3 =	sld [smem:$0x3FDB];
	s0 =	simm.s32 @p2 $0x1  }
0x17: {  	s4 =	simm.s32 $0x1BF5;
	[smem:$0x3FBA] =	sst s0  }
0x18: {  	s0 =	sld [smem:$0x3F9D];
	_ =	swait.ge [sflag:s4], $0x0  }
0x19: {  	s7 =	sld [smem:$0x3F9E]  }
0x1a: {  	s8 =	sadd.s32 $0xFFFFE003, lr  }
0x1b: {  	s9 =	sadd.s32 $0xFFFFFEF7, lr;
	s5 =	simm.s32 $0xFFFFFFFF;
	p2 =	slt.u32 s8, $0xFFFFF086  }
0x1c: {  	p1 =	slt.u32 s9, $0xF7A;
	s5 =	simm.s32 @!p2 $0x0  }
0x1d: {  	s5 =	simm.s32 @p1 $0x1;
	p0 =	seq.s32 s7, s2  }
0x1e: {  	s7 =	smul.u32 @!p0 $0xF7A, s2;
	p2 =	seq.s32 @!p0 s5, $0x0  }
0x1f: {  	s9 =	smul.u32 $0xF7A, s1;
	s8 =	simm.s32 @!p0 $0x1BF5;
	p2 =	por !p2, p0  }
0x20: {  	[sflag:s8] =	ssyncset.s32 @!p0 $0xFFFFF086;
	s6 =	sadd.s32 @!p0 s3, s7;
	s7 =	simm.s32 @!p0 $0x108  }
0x21: {  	s3 =	sadd.s32 s3, s9;
	s6 =	sadd.s32 @!p0 $0x88, s6;
	s7 =	simm.s32 @p2 $0x1082  }
0x22: {  	[simem:s7], [sflag:s8] =	dma.local @!p0 [hbm:s6], $0xF7A  }
0x23: {  	s9 =	sor.u32 $0xD0000000, s2;
	s6 =	simm.s32 $0x108;
	_ =	swait.ge @!p0 [sflag:s8], $0x0  }
0x24: {  	s3 =	sadd.s32 $0x88, s3;
	s6 =	simm.s32 @!p1 $0x1082;
	[sflag:s4] =	ssyncset.s32 $0xFFFFF086  }
0x25: {  	[simem:s6], [sflag:s4] =	dma.local [hbm:s3], $0xF7A  }
0x26: {  	[smem:$0x3F9E] =	sst s1;
	(tag) =	ssettag s2;
	_ =	strace s9  }
0x27: {  	s1 =	sld [smem:$0x3FAE]  }
0x28: {  	s2 =	sld [smem:$0x3FAF]  }
0x29: {  	s4 =	sld [smem:$0x3FB1]  }
0x2a: {  	p0 =	seq.s32 s5, $0x0;
	s5 =	sld [smem:$0x3FB2]  }
0x2b: {  	s6 =	sld [smem:$0x3FB3]  }
0x2c: {  	s7 =	sld [smem:$0x3FB4]  }
0x2d: {  	s3 =	simm.s32 $0x108;
	s8 =	sld [smem:$0x3FB5]  }
0x2e: {  	s3 =	simm.s32 @!p0 $0x1082;
	s9 =	sld [smem:$0x3FB6]  }
0x2f: {  	lr =	sadd.s32 s0, s3;
	s0 =	sld [smem:$0x3FAD]  }
0x30: {  	s3 =	sld [smem:$0x3FB0]  }
0x31: {  	[smem:$0x3FB9] =	sst s10  }
0x32: {  	s10 =	sld [smem:$0x3FB7];
	_ =	sdelay $0x3  }
0x33: {  	p0 =	seq.s32 s10, $0x1;
	s10 =	sld [smem:$0x3FB9];
	_ =	sdelay $0x3  }
0x34: {  	[smem:$0x3FB9] =	sst s10  }
0x35: {  	s10 =	sld [smem:$0x3FB8];
	_ =	sdelay $0x3  }
0x36: {  	p1 =	seq.s32 s10, $0x1;
	s10 =	sld [smem:$0x3FB9];
	_ =	sdelay $0x3  }
0x37: {  	[smem:$0x3FB9] =	sst s10  }
0x38: {  	s10 =	sld [smem:$0x3FBA]  }
0x39: {  	_ = 	snop;
	(pc) =	sbr.ind lr, $3  }
0x3a: {  	_ = 	snop  }
0x3b: {  	_ = 	snop  }
0x3c: {  	p2 =	seq.s32 s10, $0x1;
	s10 =	sld [smem:$0x3FB9]  }
0x3d: {  	_ =	shalt  }
0x3e: {  	_ =	shalt  }
0x3f: {  	_ =	shalt  }
0x40: {  	_ =	shalt  }
0x41: {  	_ =	shalt  }
0x42: {  	_ =	shalt  }
0x43: {  	_ =	shalt  }
0x44: {  	_ =	shalt  }
0x45: {  	_ =	shalt  }
0x46: {  	_ =	shalt  }
0x47: {  	_ =	shalt  }
0x48: {  	_ =	shalt  }
0x49: {  	_ =	shalt  }
0x4a: {  	_ =	shalt  }
0x4b: {  	_ =	shalt  }
0x4c: {  	_ =	shalt  }
0x4d: {  	_ =	shalt  }
0x4e: {  	_ =	shalt  }
0x4f: {  	_ =	shalt  }
0x50: {  	_ =	shalt  }
0x51: {  	_ =	shalt  }
0x52: {  	_ =	shalt  }
0x53: {  	_ =	shalt  }
0x54: {  	_ =	shalt  }
0x55: {  	_ =	shalt  }
0x56: {  	_ =	shalt  }
0x57: {  	_ =	shalt  }
0x58: {  	_ =	shalt  }
0x59: {  	_ =	shalt  }
0x5a: {  	_ =	shalt  }
0x5b: {  	_ =	shalt  }
0x5c: {  	_ =	shalt  }
0x5d: {  	_ =	shalt  }
0x5e: {  	_ =	shalt  }
0x5f: {  	_ =	shalt  }
0x60: {  	_ =	shalt  }
0x61: {  	_ =	shalt  }
0x62: {  	_ =	shalt  }
0x63: {  	_ =	shalt  }
0x64: {  	_ =	shalt  }
0x65: {  	_ =	shalt  }
0x66: {  	_ =	shalt  }
0x67: {  	_ =	shalt  }
0x68: {  	_ =	shalt  }
0x69: {  	_ =	shalt  }
0x6a: {  	_ =	shalt  }
0x6b: {  	_ =	shalt  }
0x6c: {  	_ =	shalt  }
0x6d: {  	_ =	shalt  }
0x6e: {  	_ =	shalt  }
0x6f: {  	_ =	shalt  }
0x70: {  	_ =	shalt  }
0x71: {  	_ =	shalt  }
0x72: {  	_ =	shalt  }
0x73: {  	_ =	shalt  }
0x74: {  	_ =	shalt  }
0x75: {  	_ =	shalt  }
0x76: {  	_ =	shalt  }
0x77: {  	_ =	shalt  }
0x78: {  	_ =	shalt  }
0x79: {  	_ =	shalt  }
0x7a: {  	_ =	shalt  }
0x7b: {  	_ =	shalt  }
0x7c: {  	_ =	shalt  }
0x7d: {  	_ =	shalt  }
0x7e: {  	_ =	shalt  }
0x7f: {  	_ =	shalt  }
0x80: {  	_ =	shalt  }
0x81: {  	_ =	shalt  }
0x82: {  	_ =	shalt  }
0x83: {  	_ =	shalt  }
0x84: {  	_ =	shalt  }
0x85: {  	_ =	shalt  }
0x86: {  	_ =	shalt  }
0x87: {  	_ =	shalt  }
.Lfunc_end0:
.L_simem_size_0:
called_computation.1_lowered:
.L_overlay_start_0:
0x88: {  	s2 =	sld [smem:$0x3FD9]  }
0x89: {  	s3 =	sld [smem:$0x3FFE];
	_ =	sdelay $0x1  }
0x8a: {  	s1 =	srdreg.scid  }
0x8b: {  	s0 =	sand.u32 $0x1, s1  }
0x8c: {  	s14 =	sshll.u32 s0, $0xA;
	s2 =	sadd.s32 s3, s2  }
0x8d: {  	s2 =	sadd.s32 s2, s14  }
0x8e: {  	[smem:$0x3FC5] =	sst s2  }
0x8f: {  	_ = 	snop  }
0x90: {  	s2 =	sld [smem:$0x3FD0];
	_ =	sdelay $0x2  }
0x91: {  	s15 =	simm.s32 $0xB;
	s4 =	simm.s32 $0x10  }
0x92: {  	[smem:s4], [sflag:s15] =	dma.local [hbm:s2], $0x1  }
0x93: {  	_ =	swait.eq [sflag:s15], $0x1  }
0x94: {  	[sflag:s15] =	ssyncset.done $0x0  }
0x95: {  	[sflag:s15] =	ssyncadd.s32 $0xFFFFFFFF  }
0x96: {  	s16 =	sld [smem:$0x10];
	(tm) =	ssettm $0x1  }
0x97: {  	s17 =	sld [smem:$0x3FFB];
	_ =	sdelay $0x3  }
0x98: {  	_ =	strace s17  }
0x99: {  	s3 =	sld [smem:$0x3FFC];
	_ =	sdelay $0x3  }
0x9a: {  	_ =	strace s3  }
0x9b: {  	s3 =	sld [smem:$0x3FFD];
	_ =	sdelay $0x3  }
0x9c: {  	_ =	strace s3  }
0x9d: {  	_ =	strace $0x8FFFFFFF  }
0x9e: {  	s18 =	sld [smem:$0x3FDB];
	_ =	sdelay $0x1  }
0x9f: {  	s19 =	simm.s32 $_scs_section_size  }
0xa0: {  	s5 =	simm.s32 $_size__tile_overlayer_lowered;
	s6 =	simm.s32 $_tile_overlayer_lowered  }
0xa1: {  	s22 =	simm.s32 $0x1BFF;
	s21 =	sshll.u32 s6, $0x1;
	s3 =	sadd.s32 s19, s18  }
0xa2: {  	s7 =	simm.s32 $0x0;
	s20 =	sshll.u32 s5, $0x1;
	s5 =	sadd.s32 s21, s3  }
0xa3: {  	[timem:s7], [sflag:s22] =	dma.local [hbm:s5], s20  }
0xa4: {  	_ =	swait.ge [sflag:s22], s20  }
0xa5: {  	s4 =	ssub.s32 $0x0, s20;
	[sflag:s22] =	ssyncset.done $0x0  }
0xa6: {  	[sflag:s22] =	ssyncadd.s32 s4;
	_ =	sdelay $0x1  }
0xa7: {  	s23 =	simm.s32 $0x1B8B  }
0xa8: {  	_ =	swait.ge [sflag:s23], $0x1  }
0xa9: {  	[sflag:s23] =	ssyncset.done $0x0  }
0xaa: {  	s25 =	simm.s32 $0x1B8E;
	s24 =	sld [smem:$0x3FFE];
	[sflag:s23] =	ssyncadd.s32 $0xFFFFFFFF  }
0xab: {  	s26 =	simm.s32 $execute0_lowered;
	[smem:$0x3FD2] =	sst s25  }
0xac: {  	s5 =	sshll.u32 s26, $0x1;
	_ =	strace $0x80000046;
	[dreg:$0x1] =	wrdreg $0xFFFFFFFF  }
0xad: {  	s28 =	simm.s32 $_size_execute0_lowered;
	s3 =	sadd.s32 s3, s5;
	[dreg:$0x0] =	wrdreg $0x0  }
0xae: {  	s5 =	sshll.u32 s28, $0x1;
	[dreg:$0x2] =	wrdreg s3  }
0xaf: {  	[dreg:$0x3] =	wrdreg s5  }
0xb0: {  	[dreg:$0x4] =	wrdreg $0xC0  }
0xb1: {  	_ =	task [dreg:s7], $0x5FFFF  }
0xb2: {  	[dreg:$0x1] =	wrdreg $0xFFFFFFFF  }
0xb3: {  	[dreg:$0x0] =	wrdreg $0x60  }
0xb4: {  	[dreg:$0x2] =	wrdreg s24  }
0xb5: {  	[dreg:$0x3] =	wrdreg s16  }
0xb6: {  	[dreg:$0x4] =	wrdreg $0xA  }
0xb7: {  	_ =	task.clear_ibuf [dreg:s7], $0x5FFFF;
	_ =	strace $0x90000046  }
0xb8: {  	s29 =	simm.s32 $0xA;
	_ =	strace $0x80000048  }
0xb9: {  	_ =	swait.ge [sflag:s29], $0x1  }
0xba: {  	[sflag:s29] =	ssyncadd.s32 $0xFFFFFFFF  }
0xbb: {  	_ =	strace $0x90000048  }
0xbc: {  	_ =	sfence  }
0xbd: {  	s30 =	sld [smem:$0x0];
	_ =	sdelay $0x2  }
0xbe: {  	s31 =	sshll.u32 s1, $0xD;
	s1 =	sshrl.u32 s1, $0x2  }
0xbf: {  	s3 =	sand.u32 $0x4000, s31;
	s1 =	sadd.s32 s1, s30  }
0xc0: {  	s0 =	sor.u32 s3, s0;
	s1 =	sshll.u32 s1, $0x11  }
0xc1: {  	s0 =	sor.u32 s1, s0  }
0xc2: {  	s0 =	sadd.s32 $0x8F2B, s0  }
0xc3: {  	[sflag:s0] =	ssyncadd.remote.s32 $0x1  }
0xc4: {  	_ =	sfence.sel $0xFFFF  }
0xc5: {  	[dreg:$0x0] =	wrdreg $0xFFFFFFFF;
	(pc) =	sbr.abs _section_cstart, $3  }
0xc6: {  	[dreg:$0x1] =	wrdreg $0xFFFFFFFF  }
0xc7: {  	_ =	task.clear_ibuf [dreg:s7], $0x2FFFF;
	_ =	strace $0x9FFFFFFF  }
0xc8: {  	(tm) =	ssettm $0x7FFFFFFF  }
0xc9: {  	_ =	shalt  }
tec
execute0_lowered:
.L_overlay_start_1:
0x0: {  	(tag) =	ssettag $0x1  }
0x1: {  	s1 =	srdreg.scid;
	s4 =	rddreg [dreg:$0x0]  }
0x2: {  	s0 =	stileid.u32;
	s2 =	rddreg [dreg:$0x1];
	s3 =	simm.s32 $0x0  }
0x3: {  	s11 =	simm.s32 $0x1;
	s12 =	simm.s32 $0x38;
	s13 =	simm.s32 $0xE700  }
0x4: {  	s14 =	simm.s32 $0x2;
	s15 =	simm.s32 $0x6C8;
	s16 =	simm.s32 $0x0  }
0x5: {  	s6 =	sand.u32 $0x1, s1;
	s25 =	sshll.u32 s0, $0x1;
	s1 =	rddreg [dreg:$0x2]  }
0x6: {  	[smem:$0x7FF] =	sst s3;
	s29 =	smul.u32 $0x70000, s0;
	s5 =	sor.u32 s6, s25  }
0x7: {  	s9 =	sadd.s32 $0x2C00, s4;
	s8 =	ssub.s32 $0x2, s6;
	s7 =	smul.u32 $0xE0, s5  }
0x8: {  	_ =	strace $0x80000047;
	s26 =	sshrl.u32 s8, $0x1;
	s10 =	smul.u32 $0x38000, s5  }
0x9: {  	s31 =	smul.u32 $0x38000, s6;
	s28 =	ssub.s32 s8, s26;
	s8 =	sadd.s32 s29, s9  }
0xa: {  	s7 =	sadd.s32 s7, s4;
	s5 =	smax.u32 s28, $0x1;
	s30 =	sadd.s32 s9, s10  }
0xb: {  	s8 =	sadd.s32 s31, s8;
	s9 =	simm.s32 $0x3;
	s10 =	simm.s32 $0x700  }
0xc: {  	s4 =	sadd.s32 $0x1000, s7;
	s6 =	sadd.s32 $0x34800, s30;
	s7 =	sadd.s32 $0x36400, s30  }
.LBB2_1:
0xd: {  	[tilespmem:s3], [sflag:$0x3] =	stream.linear.gather [hbm4b:s4+s3], $0x700, $0x38;
	[tilespmem:$0x1C700] =	vst v63  }
0xe: {  	_ =	swait.ge [sflag:s9], $0x700  }
0xf: {  	[sflag:s9] =	ssyncset.done $0x0  }
0x10: {  	[sflag:s9] =	ssyncadd.s32 $0xFFFFF900  }
0x11: {  	[tilespmem:s10], [sflag:$0x1] =	stream.indirect.gather [hbm4b:s2+s12], $0x400, s3, s12, $0xb8;
	[tilespmem:$0x1C700] =	vst v63  }
0x12: {  	_ =	swait.ge [sflag:s11], $0xE000  }
0x13: {  	[sflag:s11] =	ssyncset.done $0x0  }
0x14: {  	[sflag:s11] =	ssyncadd.s32 $0xFFFF2000  }
0x15: {  	[tilespmem:s13], [sflag:$0x2] =	stream.indirect.gather [hbm4b:s2+s12], $0x400, s12, s12, $0xb8;
	[tilespmem:$0x1C700] =	vst v63  }
0x16: {  	s17 =	sadd.s32 $0x0, s8  }
0x17: {  	[hbm4b:s17+s3] =	stream.linear.scatter [tilespmem:s10], [sflag:$0x3], $0xE000, $0x38;
	[tilespmem:$0x1C700] =	vst v63  }
0x18: {  	_ =	swait.ge [sflag:s9], $0xE000  }
0x19: {  	[sflag:s9] =	ssyncset.done $0x0  }
0x1a: {  	[sflag:s9] =	ssyncadd.s32 $0xFFFF2000  }
0x1b: {  	_ =	swait.ge [sflag:s14], $0xE000  }
0x1c: {  	[sflag:s14] =	ssyncset.done $0x0  }
0x1d: {  	s18 =	simm.s32 $0x70;
	[sflag:s14] =	ssyncadd.s32 $0xFFFF2000  }
0x1e: {  	[tilespmem:s10], [sflag:$0x1] =	stream.indirect.gather [hbm4b:s2+s12], $0x400, s18, s12, $0xb8;
	[tilespmem:$0x1C700] =	vst v63  }
0x1f: {  	s17 =	sadd.s32 $0x1C00, s17  }
0x20: {  	[hbm4b:s17+s3] =	stream.linear.scatter [tilespmem:s13], [sflag:$0x3], $0xE000, $0x38;
	[tilespmem:$0x1C700] =	vst v63  }
0x21: {  	_ =	swait.ge [sflag:s9], $0xE000  }
0x22: {  	s18 =	simm.s32 $0x38;
	s17 =	simm.s32 $0x3800;
	[sflag:s9] =	ssyncset.done $0x0  }
.LBB2_2:
0x23: {  	p0 =	sne.s32 s17, $0x31000;
	[sflag:s9] =	ssyncadd.s32 $0xFFFF2000;
	s18 =	sadd.s32 $0x70, s18  }
0x24: {  	s19 =	smov.u32 s17;
	s17 =	sadd.s32 $0x3800, s17  }
0x25: {  	_ =	swait.ge [sflag:s11], $0xE000  }
0x26: {  	[sflag:s11] =	ssyncset.done $0x0  }
0x27: {  	[sflag:s11] =	ssyncadd.s32 $0xFFFF2000  }
0x28: {  	[tilespmem:s13], [sflag:$0x2] =	stream.indirect.gather [hbm4b:s2+s12], $0x400, s18, s12, $0xb8;
	[tilespmem:$0x1C700] =	vst v63  }
0x29: {  	s19 =	sadd.s32 s19, s8  }
0x2a: {  	[hbm4b:s19+s3] =	stream.linear.scatter [tilespmem:s10], [sflag:$0x3], $0xE000, $0x38;
	[tilespmem:$0x1C700] =	vst v63  }
0x2b: {  	_ =	swait.ge [sflag:s9], $0xE000  }
0x2c: {  	[sflag:s9] =	ssyncset.done $0x0  }
0x2d: {  	[sflag:s9] =	ssyncadd.s32 $0xFFFF2000  }
0x2e: {  	_ =	swait.ge [sflag:s14], $0xE000  }
0x2f: {  	[sflag:s14] =	ssyncset.done $0x0  }
0x30: {  	s20 =	sadd.s32 $0x38, s18;
	[sflag:s14] =	ssyncadd.s32 $0xFFFF2000  }
0x31: {  	[tilespmem:s10], [sflag:$0x1] =	stream.indirect.gather [hbm4b:s2+s12], $0x400, s20, s12, $0xb8;
	[tilespmem:$0x1C700] =	vst v63  }
.Ltmp0:
0x32: {  	_ = 	snop;
	(pc) =	sbr.rel @p0 .LBB2_2-.Ltmp0, $4  }
0x33: {  	s19 =	sadd.s32 $0x1C00, s19  }
0x34: {  	[hbm4b:s19+s3] =	stream.linear.scatter [tilespmem:s13], [sflag:$0x3], $0xE000, $0x38;
	[tilespmem:$0x1C700] =	vst v63  }
0x35: {  	_ =	swait.ge [sflag:s9], $0xE000  }
0x36: {  	[sflag:s9] =	ssyncset.done $0x0  }
0x37: {  	[sflag:s9] =	ssyncadd.s32 $0xFFFF2000  }
0x38: {  	_ =	swait.ge [sflag:s11], $0xE000  }
0x39: {  	[sflag:s11] =	ssyncset.done $0x0  }
0x3a: {  	[sflag:s11] =	ssyncadd.s32 $0xFFFF2000  }
0x3b: {  	[tilespmem:s13], [sflag:$0x2] =	stream.indirect.gather [hbm4b:s2+s12], $0x400, s15, s12, $0xb8;
	[tilespmem:$0x1C700] =	vst v63  }
0x3c: {  	_ = 	snop  }
0x3d: {  	[hbm4b:s6+s3] =	stream.linear.scatter [tilespmem:s10], [sflag:$0x3], $0xE000, $0x38;
	[tilespmem:$0x1C700] =	vst v63  }
0x3e: {  	_ =	swait.ge [sflag:s9], $0xE000  }
0x3f: {  	[sflag:s9] =	ssyncset.done $0x0  }
0x40: {  	[sflag:s9] =	ssyncadd.s32 $0xFFFF2000  }
0x41: {  	s16 =	sadd.s32 $0x1, s16;
	_ =	swait.ge [sflag:s14], $0xE000  }
0x42: {  	p0 =	sne.s32 s16, s5;
	[sflag:s14] =	ssyncset.done $0x0  }
.Ltmp1:
0x43: {  	[sflag:s14] =	ssyncadd.s32 $0xFFFF2000;
	(pc) =	sbr.rel @p0 .LBB2_1-.Ltmp1, $4  }
0x44: {  	[hbm4b:s7+s3] =	stream.linear.scatter [tilespmem:s13], [sflag:$0x3], $0xE000, $0x38;
	[tilespmem:$0x1C700] =	vst v63  }
0x45: {  	_ =	swait.ge [sflag:s9], $0xE000  }
0x46: {  	[sflag:s9] =	ssyncset.done $0x0  }
0x47: {  	[sflag:s9] =	ssyncadd.s32 $0xFFFF2000  }
0x48: {  	_ =	sfence.sel $0x180000  }
0x49: {  	[bflag:$0x0] =	sbarrier.arrive $0xFFFF  }
0x4a: {  	p0 =	sne.s32 s0, $0x0;
	_ =	strace $0x90000047  }
0x4b: {  	s0 =	sadd.s32 @!p0 $0x100000, s1;
	[bflag:$0x2] =	sbarrier.arrive $0xFFFF  }
0x4c: {  	[sflag:s0] =	ssyncadd.tile.s32 @!p0 $0x1;
	_ =	shalt  }
.Lfunc_end2:
_tile_overlayer_lowered:
.L_overlay_start_2:
0x4d: {  	(tag) =	ssettag $0x2  }
0x4e: {  	s0 =	rddreg [dreg:$0x0];
	s2 =	stileid.u32  }
0x4f: {  	s1 =	rddreg [dreg:$0x1];
	p0 =	sne.s32 s2, $0x0  }
0x50: {  	s3 =	rddreg [dreg:$0x2];
	[bflag:$0x3] =	sbarrier.arrive $0xFFFF;
	s2 =	simm.s32 @!p0 $0x1C03  }
0x51: {  	[timem:s3], [sflag:s2] =	dma.local @!p0 [hbm:s0], s1  }
0x52: {  	s0 =	simm.s32 @!p0 $0x3  }
0x53: {  	_ =	swait.ge @!p0 [sflag:s0], s1  }
0x54: {  	s1 =	ssub.s32 @!p0 $0x0, s1;
	[sflag:s0] =	ssyncset.done @!p0 $0x0  }
0x55: {  	[sflag:s0] =	ssyncadd.s32 @!p0 s1  }
0x56: {  	[bflag:$0x3] =	sbarrier.arrive $0xFFFF  }
0x57: {  	_ =	shalt  }

// kernel: kernel.9.cloned.1.call-start
scs
__scs_entry_jumppad:
0x0: {  	(pc) =	sbr.rel $0x88, $3  }
0x1: {  	(tag) =	ssettag $0x0;
	lr =	simm.s32 $0x1  }
0x2: {  	[smem:$0x3F9E] =	sst lr;
	_ =	strace $0xD0000000  }
0x3: {  	_ = 	snop  }
0x4: {  	_ = 	snop  }
0x5: {  	_ = 	snop  }
0x6: {  	_ = 	snop  }
0x7: {  	_ = 	snop  }
__scs_overlays_trampoline_lowered:
0x8: {  	[smem:$0x3FAD] =	sst s0  }
0x9: {  	[smem:$0x3FAE] =	sst s1  }
0xa: {  	[smem:$0x3FAF] =	sst s2  }
0xb: {  	[smem:$0x3FB0] =	sst s3  }
0xc: {  	[smem:$0x3FB1] =	sst s4  }
0xd: {  	[smem:$0x3FB2] =	sst s5  }
0xe: {  	[smem:$0x3FB3] =	sst s6  }
0xf: {  	[smem:$0x3FB4] =	sst s7  }
0x10: {  	[smem:$0x3FB5] =	sst s8  }
0x11: {  	[smem:$0x3FB6] =	sst s9;
	s0 =	simm.s32 @!p0 $0x0  }
0x12: {  	s1 =	sld [smem:$0x3F9C];
	s0 =	simm.s32 @p0 $0x1  }
0x13: {  	[smem:$0x3FB7] =	sst s0;
	s0 =	simm.s32 @!p1 $0x0  }
0x14: {  	s2 =	sld [smem:$0x3F9B];
	s0 =	simm.s32 @p1 $0x1  }
0x15: {  	[smem:$0x3FB8] =	sst s0;
	s0 =	simm.s32 @!p2 $0x0  }
0x16: {  	s3 =	sld [smem:$0x3FDB];
	s0 =	simm.s32 @p2 $0x1  }
0x17: {  	s4 =	simm.s32 $0x1BF5;
	[smem:$0x3FBA] =	sst s0  }
0x18: {  	s0 =	sld [smem:$0x3F9D];
	_ =	swait.ge [sflag:s4], $0x0  }
0x19: {  	s7 =	sld [smem:$0x3F9E]  }
0x1a: {  	s8 =	sadd.s32 $0xFFFFE003, lr  }
0x1b: {  	s9 =	sadd.s32 $0xFFFFFEF7, lr;
	s5 =	simm.s32 $0xFFFFFFFF;
	p2 =	slt.u32 s8, $0xFFFFF086  }
0x1c: {  	p1 =	slt.u32 s9, $0xF7A;
	s5 =	simm.s32 @!p2 $0x0  }
0x1d: {  	s5 =	simm.s32 @p1 $0x1;
	p0 =	seq.s32 s7, s2  }
0x1e: {  	s7 =	smul.u32 @!p0 $0xF7A, s2;
	p2 =	seq.s32 @!p0 s5, $0x0  }
0x1f: {  	s9 =	smul.u32 $0xF7A, s1;
	s8 =	simm.s32 @!p0 $0x1BF5;
	p2 =	por !p2, p0  }
0x20: {  	[sflag:s8] =	ssyncset.s32 @!p0 $0xFFFFF086;
	s6 =	sadd.s32 @!p0 s3, s7;
	s7 =	simm.s32 @!p0 $0x108  }
0x21: {  	s3 =	sadd.s32 s3, s9;
	s6 =	sadd.s32 @!p0 $0x88, s6;
	s7 =	simm.s32 @p2 $0x1082  }
0x22: {  	[simem:s7], [sflag:s8] =	dma.local @!p0 [hbm:s6], $0xF7A  }
0x23: {  	s9 =	sor.u32 $0xD0000000, s2;
	s6 =	simm.s32 $0x108;
	_ =	swait.ge @!p0 [sflag:s8], $0x0  }
0x24: {  	s3 =	sadd.s32 $0x88, s3;
	s6 =	simm.s32 @!p1 $0x1082;
	[sflag:s4] =	ssyncset.s32 $0xFFFFF086  }
0x25: {  	[simem:s6], [sflag:s4] =	dma.local [hbm:s3], $0xF7A  }
0x26: {  	[smem:$0x3F9E] =	sst s1;
	(tag) =	ssettag s2;
	_ =	strace s9  }
0x27: {  	s1 =	sld [smem:$0x3FAE]  }
0x28: {  	s2 =	sld [smem:$0x3FAF]  }
0x29: {  	s4 =	sld [smem:$0x3FB1]  }
0x2a: {  	p0 =	seq.s32 s5, $0x0;
	s5 =	sld [smem:$0x3FB2]  }
0x2b: {  	s6 =	sld [smem:$0x3FB3]  }
0x2c: {  	s7 =	sld [smem:$0x3FB4]  }
0x2d: {  	s3 =	simm.s32 $0x108;
	s8 =	sld [smem:$0x3FB5]  }
0x2e: {  	s3 =	simm.s32 @!p0 $0x1082;
	s9 =	sld [smem:$0x3FB6]  }
0x2f: {  	lr =	sadd.s32 s0, s3;
	s0 =	sld [smem:$0x3FAD]  }
0x30: {  	s3 =	sld [smem:$0x3FB0]  }
0x31: {  	[smem:$0x3FB9] =	sst s10  }
0x32: {  	s10 =	sld [smem:$0x3FB7];
	_ =	sdelay $0x3  }
0x33: {  	p0 =	seq.s32 s10, $0x1;
	s10 =	sld [smem:$0x3FB9];
	_ =	sdelay $0x3  }
0x34: {  	[smem:$0x3FB9] =	sst s10  }
0x35: {  	s10 =	sld [smem:$0x3FB8];
	_ =	sdelay $0x3  }
0x36: {  	p1 =	seq.s32 s10, $0x1;
	s10 =	sld [smem:$0x3FB9];
	_ =	sdelay $0x3  }
0x37: {  	[smem:$0x3FB9] =	sst s10  }
0x38: {  	s10 =	sld [smem:$0x3FBA]  }
0x39: {  	_ = 	snop;
	(pc) =	sbr.ind lr, $3  }
0x3a: {  	_ = 	snop  }
0x3b: {  	_ = 	snop  }
0x3c: {  	p2 =	seq.s32 s10, $0x1;
	s10 =	sld [smem:$0x3FB9]  }
0x3d: {  	_ =	shalt  }
0x3e: {  	_ =	shalt  }
0x3f: {  	_ =	shalt  }
0x40: {  	_ =	shalt  }
0x41: {  	_ =	shalt  }
0x42: {  	_ =	shalt  }
0x43: {  	_ =	shalt  }
0x44: {  	_ =	shalt  }
0x45: {  	_ =	shalt  }
0x46: {  	_ =	shalt  }
0x47: {  	_ =	shalt  }
0x48: {  	_ =	shalt  }
0x49: {  	_ =	shalt  }
0x4a: {  	_ =	shalt  }
0x4b: {  	_ =	shalt  }
0x4c: {  	_ =	shalt  }
0x4d: {  	_ =	shalt  }
0x4e: {  	_ =	shalt  }
0x4f: {  	_ =	shalt  }
0x50: {  	_ =	shalt  }
0x51: {  	_ =	shalt  }
0x52: {  	_ =	shalt  }
0x53: {  	_ =	shalt  }
0x54: {  	_ =	shalt  }
0x55: {  	_ =	shalt  }
0x56: {  	_ =	shalt  }
0x57: {  	_ =	shalt  }
0x58: {  	_ =	shalt  }
0x59: {  	_ =	shalt  }
0x5a: {  	_ =	shalt  }
0x5b: {  	_ =	shalt  }
0x5c: {  	_ =	shalt  }
0x5d: {  	_ =	shalt  }
0x5e: {  	_ =	shalt  }
0x5f: {  	_ =	shalt  }
0x60: {  	_ =	shalt  }
0x61: {  	_ =	shalt  }
0x62: {  	_ =	shalt  }
0x63: {  	_ =	shalt  }
0x64: {  	_ =	shalt  }
0x65: {  	_ =	shalt  }
0x66: {  	_ =	shalt  }
0x67: {  	_ =	shalt  }
0x68: {  	_ =	shalt  }
0x69: {  	_ =	shalt  }
0x6a: {  	_ =	shalt  }
0x6b: {  	_ =	shalt  }
0x6c: {  	_ =	shalt  }
0x6d: {  	_ =	shalt  }
0x6e: {  	_ =	shalt  }
0x6f: {  	_ =	shalt  }
0x70: {  	_ =	shalt  }
0x71: {  	_ =	shalt  }
0x72: {  	_ =	shalt  }
0x73: {  	_ =	shalt  }
0x74: {  	_ =	shalt  }
0x75: {  	_ =	shalt  }
0x76: {  	_ =	shalt  }
0x77: {  	_ =	shalt  }
0x78: {  	_ =	shalt  }
0x79: {  	_ =	shalt  }
0x7a: {  	_ =	shalt  }
0x7b: {  	_ =	shalt  }
0x7c: {  	_ =	shalt  }
0x7d: {  	_ =	shalt  }
0x7e: {  	_ =	shalt  }
0x7f: {  	_ =	shalt  }
0x80: {  	_ =	shalt  }
0x81: {  	_ =	shalt  }
0x82: {  	_ =	shalt  }
0x83: {  	_ =	shalt  }
0x84: {  	_ =	shalt  }
0x85: {  	_ =	shalt  }
0x86: {  	_ =	shalt  }
0x87: {  	_ =	shalt  }
.Lfunc_end0:
.L_simem_size_0:
called_computation.2_lowered:
.L_overlay_start_0:
0x88: {  	s2 =	sld [smem:$0x3FD9]  }
0x89: {  	s3 =	sld [smem:$0x3FFE];
	_ =	sdelay $0x1  }
0x8a: {  	s1 =	srdreg.scid  }
0x8b: {  	s0 =	sand.u32 $0x1, s1  }
0x8c: {  	s17 =	sshll.u32 s0, $0xA;
	s2 =	sadd.s32 s3, s2  }
0x8d: {  	s2 =	sadd.s32 s2, s17  }
0x8e: {  	[smem:$0x3FC5] =	sst s2  }
0x8f: {  	_ = 	snop  }
0x90: {  	(tm) =	ssettm $0x1  }
0x91: {  	s18 =	sld [smem:$0x3FFB];
	_ =	sdelay $0x3  }
0x92: {  	_ =	strace s18  }
0x93: {  	s2 =	sld [smem:$0x3FFC];
	_ =	sdelay $0x3  }
0x94: {  	_ =	strace s2  }
0x95: {  	s2 =	sld [smem:$0x3FFD];
	_ =	sdelay $0x3  }
0x96: {  	_ =	strace s2  }
0x97: {  	_ =	strace $0x8FFFFFFF  }
0x98: {  	s19 =	sld [smem:$0x3FDB];
	_ =	sdelay $0x1  }
0x99: {  	s20 =	simm.s32 $_scs_section_size  }
0x9a: {  	s4 =	simm.s32 $_size__tile_overlayer_lowered;
	s5 =	simm.s32 $_tile_overlayer_lowered  }
0x9b: {  	s6 =	simm.s32 $0x1BFF;
	s21 =	sshll.u32 s5, $0x1;
	s3 =	sadd.s32 s20, s19  }
0x9c: {  	s22 =	simm.s32 $0x0;
	s4 =	sshll.u32 s4, $0x1;
	s5 =	sadd.s32 s21, s3  }
0x9d: {  	[timem:s22], [sflag:s6] =	dma.local [hbm:s5], s4  }
0x9e: {  	_ =	swait.ge [sflag:s6], s4  }
0x9f: {  	s4 =	ssub.s32 $0x0, s4;
	[sflag:s6] =	ssyncset.done $0x0  }
0xa0: {  	[sflag:s6] =	ssyncadd.s32 s4;
	_ =	sdelay $0x1  }
0xa1: {  	s23 =	simm.s32 $0x1B8B  }
0xa2: {  	_ =	swait.ge [sflag:s23], $0x1  }
0xa3: {  	[sflag:s23] =	ssyncset.done $0x0  }
0xa4: {  	[sflag:s23] =	ssyncadd.s32 $0xFFFFFFFF  }
0xa5: {  	s4 =	sld [smem:$0x0]  }
0xa6: {  	s5 =	sand.u32 $0xFFFFFFFE, s1  }
0xa7: {  	p0 =	sne.s32 s1, s5  }
0xa8: {  	s5 =	sshll.u32 @p0 s5, $0xE  }
0xa9: {  	s5 =	sadd.s32 @p0 $0x11B8D, s5;
	s6 =	sshll.u32 @p0 s4, $0x11  }
0xaa: {  	s5 =	sor.u32 @p0 s6, s5  }
0xab: {  	[sflag:s5] =	ssyncadd.remote.s32 @p0 $0x1;
	_ =	sdelay $0x1  }
0xac: {  	s5 =	simm.s32 @p0 $0x1B8D  }
0xad: {  	_ =	swait.eq @p0 [sflag:s5], $0x1  }
0xae: {  	[sflag:s5] =	ssyncadd.s32 @p0 $0xFFFFFFFF  }
0xaf: {  	s6 =	sshll.u32 @!p0 s1, $0xE  }
0xb0: {  	s6 =	sor.u32 @!p0 $0x4000, s6;
	s5 =	simm.s32 @!p0 $0x1B8D  }
0xb1: {  	s4 =	sshll.u32 @!p0 s4, $0x11;
	s6 =	sadd.s32 @!p0 $0x11B8D, s6;
	_ =	swait.eq @!p0 [sflag:s5], $0x1  }
0xb2: {  	s4 =	sor.u32 @!p0 s4, s6;
	[sflag:s5] =	ssyncadd.s32 @!p0 $0xFFFFFFFF  }
0xb3: {  	s25 =	simm.s32 $0x1B8E;
	s24 =	sld [smem:$0x3FFE];
	[sflag:s4] =	ssyncadd.remote.s32 @!p0 $0x1  }
0xb4: {  	s26 =	simm.s32 $execute0_lowered;
	[smem:$0x3FD2] =	sst s25  }
0xb5: {  	s5 =	sshll.u32 s26, $0x1;
	_ =	strace $0x80000049;
	[dreg:$0x1] =	wrdreg $0xFFFFFFFF  }
0xb6: {  	s28 =	simm.s32 $_size_execute0_lowered;
	s3 =	sadd.s32 s3, s5;
	[dreg:$0x0] =	wrdreg $0x0  }
0xb7: {  	s5 =	sshll.u32 s28, $0x1;
	[dreg:$0x2] =	wrdreg s3  }
0xb8: {  	[dreg:$0x3] =	wrdreg s5  }
0xb9: {  	[dreg:$0x4] =	wrdreg $0xC0  }
0xba: {  	_ =	task [dreg:s22], $0x5FFFF  }
0xbb: {  	[dreg:$0x1] =	wrdreg $0xFFFFFFFF  }
0xbc: {  	[dreg:$0x0] =	wrdreg $0x60  }
0xbd: {  	[dreg:$0x2] =	wrdreg s24  }
0xbe: {  	[dreg:$0x3] =	wrdreg $0x9  }
0xbf: {  	_ =	task.clear_ibuf [dreg:s22], $0x4FFFF;
	_ =	strace $0x90000049  }
0xc0: {  	s29 =	simm.s32 $0x9;
	_ =	strace $0x8000004B  }
0xc1: {  	_ =	swait.ge [sflag:s29], $0x1  }
0xc2: {  	[sflag:s29] =	ssyncadd.s32 $0xFFFFFFFF  }
0xc3: {  	_ =	strace $0x9000004B  }
0xc4: {  	_ =	sfence  }
0xc5: {  	s30 =	sld [smem:$0x0];
	_ =	sdelay $0x2  }
0xc6: {  	s31 =	sshll.u32 s1, $0xD;
	s1 =	sshrl.u32 s1, $0x2  }
0xc7: {  	s4 =	sand.u32 $0x4000, s31;
	s1 =	sadd.s32 s1, s30  }
0xc8: {  	s0 =	sor.u32 s4, s0;
	s1 =	sshll.u32 s1, $0x11  }
0xc9: {  	s0 =	sor.u32 s1, s0  }
0xca: {  	s0 =	sadd.s32 $0x8F2B, s0  }
0xcb: {  	[sflag:s0] =	ssyncadd.remote.s32 $0x1  }
0xcc: {  	_ =	sfence.sel $0xFFFF  }
0xcd: {  	[dreg:$0x0] =	wrdreg $0xFFFFFFFF;
	(pc) =	sbr.abs _section_cstart, $3  }
0xce: {  	[dreg:$0x1] =	wrdreg $0xFFFFFFFF  }
0xcf: {  	_ =	task.clear_ibuf [dreg:s22], $0x2FFFF;
	_ =	strace $0x9FFFFFFF  }
0xd0: {  	(tm) =	ssettm $0x7FFFFFFF  }
0xd1: {  	_ =	shalt  }
tec
execute0_lowered:
.L_overlay_start_1:
0x0: {  	(tag) =	ssettag $0x1  }
0x1: {  	s1 =	srdreg.scid  }
0x2: {  	s0 =	stileid.u32;
	s5 =	rddreg [dreg:$0x0]  }
0x3: {  	s2 =	simm.s32 $0x0;
	s10 =	simm.s32 $0x640;
	s11 =	simm.s32 $0x40  }
0x4: {  	s12 =	simm.s32 $0x1;
	s13 =	simm.s32 $0x2;
	s14 =	simm.s32 $0x1F40  }
0x5: {  	s4 =	sand.u32 $0x1, s1;
	s30 =	sshll.u32 s0, $0x1;
	s1 =	rddreg [dreg:$0x1]  }
0x6: {  	s15 =	simm.s32 $0x0;
	[smem:$0x7FF] =	sst s2;
	s6 =	sor.u32 s4, s30  }
0x7: {  	_ =	strace $0x8000004A;
	s8 =	ssub.s32 $0x2, s4;
	s3 =	smul.u32 $0xC8, s6  }
0x8: {  	s4 =	sadd.s32 $0x724A00, s5;
	s6 =	sshll.u32 s6, $0x1;
	s31 =	sshrl.u32 s8, $0x1  }
0x9: {  	s9 =	sadd.s32 s6, s5;
	s8 =	ssub.s32 s8, s31;
	s7 =	sadd.s32 s3, s5  }
0xa: {  	s3 =	sadd.s32 $0x706000, s5;
	s8 =	smax.u32 s8, $0x1;
	s5 =	sadd.s32 $0x704600, s7  }
0xb: {  	s6 =	sadd.s32 $0x702C00, s7;
	s7 =	sadd.s32 $0x724C00, s9;
	s9 =	simm.s32 $0x3  }
.LBB2_1:
0xc: {  	[tilespmem:s2], [sflag:$0x3] =	stream.linear.gather [hbm4b:s5+s2], $0x640, $0x38;
	[tilespmem:$0x1F50] =	vst v63  }
0xd: {  	_ =	swait.ge [sflag:s9], $0x640  }
0xe: {  	[sflag:s9] =	ssyncset.done $0x0  }
0xf: {  	[sflag:s9] =	ssyncadd.s32 $0xFFFFF9C0  }
0x10: {  	[tilespmem:s10], [sflag:$0x3] =	stream.linear.gather [hbm4b:s6+s2], $0x640, $0x38;
	[tilespmem:$0x1F50] =	vst v63  }
0x11: {  	_ =	swait.ge [sflag:s9], $0x640  }
0x12: {  	[sflag:s9] =	ssyncset.done $0x0  }
0x13: {  	s16 =	simm.s32 $0x0;
	[sflag:s9] =	ssyncadd.s32 $0xFFFFF9C0  }
0x14: {  	v0 =	vld [tilespmem:s16+$0x0]  }
0x15: {  	s17 =	simm.s32 $0x40;
	v1 =	vld [tilespmem:s16+$0x640]  }
.LBB2_2:
0x16: {  	_ = 	snop  }
0x17: {  	p0 =	sne.s32 s17, $0x18C0  }
.Ltmp0:
0x18: {  	_ = 	snop;
	(pc) =	sbr.rel @p0 .LBB2_2-.Ltmp0, $4  }
0x19: {  	v2 =	vmul.u32 $0x3E8, v0  }
0x1a: {  	s18 =	sshra.s32 s17, $0x2  }
0x1b: {  	v0 =	vld [tilespmem:s18+$0x0];
	v2 =	vadd.s32 v1, v2  }
0x1c: {  	s17 =	sadd.s32 $0x40, s17;
	v1 =	vld [tilespmem:s18+$0x640];
	[tilespmem:s16+$0xC80] =	vst v2;
	s16 =	smov.u32 s18  }
0x1d: {  	_ =	sdelay $0x2  }
0x1e: {  	v0 =	vmul.u32 $0x3E8, v0;
	_ =	sdelay $0x1  }
0x1f: {  	v0 =	vadd.s32 v1, v0  }
0x20: {  	s31 =	simm.s32 $0x0;
	s17 =	simm.s32 $0x12C0;
	[tilespmem:s16+$0xC80] =	vst v0  }
0x21: {  	[tilespmem:s17], [sflag:$0x1] =	stream.indirect.gather [hbm4b:s4+s11], $0x1, s31, s11, $0xb8;
	[tilespmem:$0x1F50] =	vst v63  }
0x22: {  	s18 =	simm.s32 $0xC80;
	s16 =	simm.s32 $0x100;
	s17 =	simm.s32 $0x1900  }
.LBB2_4:
0x23: {  	[tilespmem:s17], [sflag:$0x2] =	stream.indirect.gather [hbm4b:s3+s11], $0x1, s18, s11, $0xb8;
	[tilespmem:$0x1F50] =	vst v63  }
0x24: {  	s17 =	smov.u32 s16;
	p0 =	sne.s32 s16, $0x1800  }
.Ltmp1:
0x25: {  	s16 =	sadd.s32 $0x100, s16;
	(pc) =	sbr.rel @p0 .LBB2_4-.Ltmp1, $4  }
0x26: {  	s18 =	sshra.s32 s17, $0x2  }
0x27: {  	s17 =	sadd.s32 $0x12C0, s18  }
0x28: {  	[tilespmem:s17], [sflag:$0x1] =	stream.indirect.gather [hbm4b:s4+s11], $0x1, s18, s11, $0xb8;
	[tilespmem:$0x1F50] =	vst v63  }
0x29: {  	s17 =	sadd.s32 $0x1900, s18;
	s18 =	sadd.s32 $0xC80, s18  }
0x2a: {  	[tilespmem:s17], [sflag:$0x2] =	stream.indirect.gather [hbm4b:s3+s11], $0x1, s18, s11, $0xb8;
	[tilespmem:$0x1F50] =	vst v63  }
0x2b: {  	_ =	swait.ge [sflag:s12], $0x40  }
0x2c: {  	[sflag:s12] =	ssyncset.done $0x0  }
0x2d: {  	[sflag:s12] =	ssyncadd.s32 $0xFFFFFFC0  }
0x2e: {  	_ =	swait.ge [sflag:s13], $0x40  }
0x2f: {  	s16 =	simm.s32 $0x18;
	[sflag:s13] =	ssyncset.done $0x0  }
.LBB2_6:
0x30: {  	p0 =	sne.s32 s16, $0x1;
	s16 =	sadd.s32 $0xFFFFFFFF, s16;
	[sflag:s13] =	ssyncadd.s32 $0xFFFFFFC0  }
.Ltmp2:
0x31: {  	_ =	swait.ge [sflag:s12], $0x40;
	(pc) =	sbr.rel @p0 .LBB2_6-.Ltmp2, $4  }
0x32: {  	[sflag:s12] =	ssyncset.done $0x0  }
0x33: {  	[sflag:s12] =	ssyncadd.s32 $0xFFFFFFC0  }
0x34: {  	_ =	swait.ge [sflag:s13], $0x40  }
0x35: {  	[sflag:s13] =	ssyncset.done $0x0  }
0x36: {  	[sflag:s13] =	ssyncadd.s32 $0xFFFFFFC0;
	s17 =	simm.s32 $0x0  }
0x37: {  	v1 =	vld [tilespmem:s17+$0x12C0]  }
0x38: {  	v0 =	vimm.f32 $0.0e+00;
	s16 =	simm.s32 $0x40;
	v2 =	vld [tilespmem:s17+$0x1900]  }
.LBB2_8:
0x39: {  	_ = 	snop  }
0x3a: {  	p0 =	sne.s32 s16, $0x18C0  }
.Ltmp3:
0x3b: {  	_ = 	snop;
	(pc) =	sbr.rel @p0 .LBB2_8-.Ltmp3, $4  }
0x3c: {  	_ = 	snop  }
0x3d: {  	s17 =	sshra.s32 s16, $0x2;
	v3 =	vsub.f32 v1, v2  }
0x3e: {  	v1 =	vld [tilespmem:s17+$0x12C0]  }
0x3f: {  	s16 =	sadd.s32 $0x40, s16;
	v2 =	vld [tilespmem:s17+$0x1900];
	v0 =	vadd.f32 v3, v0  }
0x40: {  	_ =	sdelay $0x3  }
0x41: {  	v1 =	vsub.f32 v1, v2;
	_ =	sdelay $0x1  }
0x42: {  	s15 =	sadd.s32 $0x1, s15;
	v0 =	vadd.f32 v1, v0  }
0x43: {  	p0 =	sne.s32 s15, s8  }
.Ltmp4:
0x44: {  	[tilespmem:$0x1F40] =	vst v0;
	(pc) =	sbr.rel @p0 .LBB2_1-.Ltmp4, $4  }
0x45: {  	[hbm4b:s7+s2] =	stream.linear.scatter [tilespmem:s14], [sflag:$0x3], $0x10, $0x38;
	[tilespmem:$0x1F50] =	vst v63  }
0x46: {  	_ =	swait.ge [sflag:s9], $0x10  }
0x47: {  	[sflag:s9] =	ssyncset.done $0x0  }
0x48: {  	[sflag:s9] =	ssyncadd.s32 $0xFFFFFFF0  }
0x49: {  	_ =	sfence.sel $0x180000  }
0x4a: {  	[bflag:$0x0] =	sbarrier.arrive $0xFFFF  }
0x4b: {  	p0 =	sne.s32 s0, $0x0;
	_ =	strace $0x9000004A  }
0x4c: {  	s0 =	sadd.s32 @!p0 $0x100000, s1;
	[bflag:$0x2] =	sbarrier.arrive $0xFFFF  }
0x4d: {  	[sflag:s0] =	ssyncadd.tile.s32 @!p0 $0x1;
	_ =	shalt  }
.Lfunc_end2:
_tile_overlayer_lowered:
.L_overlay_start_2:
0x4e: {  	(tag) =	ssettag $0x2  }
0x4f: {  	s0 =	rddreg [dreg:$0x0];
	s2 =	stileid.u32  }
0x50: {  	s1 =	rddreg [dreg:$0x1];
	p0 =	sne.s32 s2, $0x0  }
0x51: {  	s3 =	rddreg [dreg:$0x2];
	[bflag:$0x3] =	sbarrier.arrive $0xFFFF;
	s2 =	simm.s32 @!p0 $0x1C03  }
0x52: {  	[timem:s3], [sflag:s2] =	dma.local @!p0 [hbm:s0], s1  }
0x53: {  	s0 =	simm.s32 @!p0 $0x3  }
0x54: {  	_ =	swait.ge @!p0 [sflag:s0], s1  }
0x55: {  	s1 =	ssub.s32 @!p0 $0x0, s1;
	[sflag:s0] =	ssyncset.done @!p0 $0x0  }
0x56: {  	[sflag:s0] =	ssyncadd.s32 @!p0 s1  }
0x57: {  	[bflag:$0x3] =	sbarrier.arrive $0xFFFF  }
0x58: {  	_ =	shalt  }

// kernel: sparse-core-data-format-call.cloned.1.call-start
scs
called_computation_lowered:
.L_overlay_start_0:
0x0: {  	s2 =	sld [smem:$0x3FD9]  }
0x1: {  	s3 =	sld [smem:$0x3FFE];
	_ =	sdelay $0x1  }
0x2: {  	s1 =	srdreg.scid  }
0x3: {  	s0 =	sand.u32 $0x1, s1  }
0x4: {  	s16 =	sshll.u32 s0, $0xA;
	s2 =	sadd.s32 s3, s2  }
0x5: {  	s2 =	sadd.s32 s2, s16  }
0x6: {  	[smem:$0x3FC5] =	sst s2  }
0x7: {  	_ = 	snop  }
0x8: {  	s2 =	sld [smem:$0x3FD0];
	_ =	sdelay $0x2  }
0x9: {  	s17 =	simm.s32 $0xB;
	s4 =	simm.s32 $0x10  }
0xa: {  	[smem:s4], [sflag:s17] =	dma.local [hbm:s2], $0x1  }
0xb: {  	_ =	swait.eq [sflag:s17], $0x1  }
0xc: {  	[sflag:s17] =	ssyncset.done $0x0  }
0xd: {  	[sflag:s17] =	ssyncadd.s32 $0xFFFFFFFF  }
0xe: {  	s18 =	sld [smem:$0x10];
	(tm) =	ssettm $0x1  }
0xf: {  	s19 =	sld [smem:$0x3FFB];
	_ =	sdelay $0x3  }
0x10: {  	_ =	strace s19  }
0x11: {  	s2 =	sld [smem:$0x3FFC];
	_ =	sdelay $0x3  }
0x12: {  	_ =	strace s2  }
0x13: {  	s2 =	sld [smem:$0x3FFD];
	_ =	sdelay $0x3  }
0x14: {  	_ =	strace s2  }
0x15: {  	_ =	strace $0x8FFFFFFF  }
0x16: {  	s20 =	sld [smem:$0x3FDB];
	_ =	sdelay $0x1  }
0x17: {  	s21 =	simm.s32 $_scs_section_size  }
0x18: {  	s5 =	simm.s32 $_size__tile_overlayer_lowered;
	s6 =	simm.s32 $_tile_overlayer_lowered  }
0x19: {  	s7 =	simm.s32 $0x1BFF;
	s22 =	sshll.u32 s6, $0x1;
	s4 =	sadd.s32 s21, s20  }
0x1a: {  	s23 =	simm.s32 $0x0;
	s5 =	sshll.u32 s5, $0x1;
	s6 =	sadd.s32 s22, s4  }
0x1b: {  	[timem:s23], [sflag:s7] =	dma.local [hbm:s6], s5  }
0x1c: {  	_ =	swait.ge [sflag:s7], s5  }
0x1d: {  	s5 =	ssub.s32 $0x0, s5;
	[sflag:s7] =	ssyncset.done $0x0  }
0x1e: {  	[sflag:s7] =	ssyncadd.s32 s5;
	_ =	sdelay $0x1  }
0x1f: {  	s24 =	simm.s32 $0x1B8B  }
0x20: {  	_ =	swait.ge [sflag:s24], $0x1  }
0x21: {  	[sflag:s24] =	ssyncset.done $0x0  }
0x22: {  	[sflag:s24] =	ssyncadd.s32 $0xFFFFFFFF  }
0x23: {  	s5 =	sld [smem:$0x0]  }
0x24: {  	s6 =	sand.u32 $0xFFFFFFFE, s1  }
0x25: {  	p0 =	sne.s32 s1, s6  }
0x26: {  	s6 =	sshll.u32 @p0 s6, $0xE  }
0x27: {  	s6 =	sadd.s32 @p0 $0x11B8D, s6;
	s7 =	sshll.u32 @p0 s5, $0x11  }
0x28: {  	s6 =	sor.u32 @p0 s7, s6  }
0x29: {  	[sflag:s6] =	ssyncadd.remote.s32 @p0 $0x1;
	_ =	sdelay $0x1  }
0x2a: {  	s6 =	simm.s32 @p0 $0x1B8D  }
0x2b: {  	_ =	swait.eq @p0 [sflag:s6], $0x1  }
0x2c: {  	[sflag:s6] =	ssyncadd.s32 @p0 $0xFFFFFFFF  }
0x2d: {  	s7 =	sshll.u32 @!p0 s1, $0xE  }
0x2e: {  	s7 =	sor.u32 @!p0 $0x4000, s7;
	s6 =	simm.s32 @!p0 $0x1B8D  }
0x2f: {  	s5 =	sshll.u32 @!p0 s5, $0x11;
	s7 =	sadd.s32 @!p0 $0x11B8D, s7;
	_ =	swait.eq @!p0 [sflag:s6], $0x1  }
0x30: {  	s5 =	sor.u32 @!p0 s5, s7;
	[sflag:s6] =	ssyncadd.s32 @!p0 $0xFFFFFFFF  }
0x31: {  	s26 =	simm.s32 $0x1B8E;
	s25 =	sld [smem:$0x3FFE];
	[sflag:s5] =	ssyncadd.remote.s32 @!p0 $0x1  }
0x32: {  	s27 =	simm.s32 $execute0_lowered;
	[smem:$0x3FD2] =	sst s26  }
0x33: {  	s6 =	sshll.u32 s27, $0x1;
	_ =	strace $0x8000004C;
	[dreg:$0x1] =	wrdreg $0xFFFFFFFF  }
0x34: {  	s28 =	simm.s32 $_size_execute0_lowered;
	s4 =	sadd.s32 s4, s6;
	[dreg:$0x0] =	wrdreg $0x0  }
0x35: {  	s6 =	sshll.u32 s28, $0x1;
	[dreg:$0x2] =	wrdreg s4  }
0x36: {  	[dreg:$0x3] =	wrdreg s6  }
0x37: {  	[dreg:$0x4] =	wrdreg $0xC0  }
0x38: {  	_ =	task [dreg:s23], $0x5FFFF  }
0x39: {  	[dreg:$0x1] =	wrdreg $0xFFFFFFFF  }
0x3a: {  	[dreg:$0x0] =	wrdreg $0x60  }
0x3b: {  	[dreg:$0x2] =	wrdreg s25  }
0x3c: {  	[dreg:$0x3] =	wrdreg s18  }
0x3d: {  	[dreg:$0x4] =	wrdreg $0xA  }
0x3e: {  	_ =	task.clear_ibuf [dreg:s23], $0x5FFFF;
	_ =	strace $0x9000004C  }
0x3f: {  	s29 =	simm.s32 $0xA;
	_ =	strace $0x8000004E  }
0x40: {  	_ =	swait.ge [sflag:s29], $0x1  }
0x41: {  	[sflag:s29] =	ssyncadd.s32 $0xFFFFFFFF  }
0x42: {  	_ =	strace $0x9000004E  }
0x43: {  	_ =	sfence  }
0x44: {  	s30 =	sld [smem:$0x0];
	_ =	sdelay $0x2  }
0x45: {  	s31 =	sshll.u32 s1, $0xD;
	s1 =	sshrl.u32 s1, $0x2  }
0x46: {  	s4 =	sand.u32 $0x4000, s31;
	s1 =	sadd.s32 s1, s30  }
0x47: {  	s0 =	sor.u32 s4, s0;
	s1 =	sshll.u32 s1, $0x11  }
0x48: {  	s0 =	sor.u32 s1, s0  }
0x49: {  	s0 =	sadd.s32 $0x8F2B, s0  }
0x4a: {  	[sflag:s0] =	ssyncadd.remote.s32 $0x1  }
0x4b: {  	_ =	sfence.sel $0xFFFF  }
0x4c: {  	[dreg:$0x0] =	wrdreg $0xFFFFFFFF;
	(pc) =	sbr.abs _section_cstart, $3  }
0x4d: {  	[dreg:$0x1] =	wrdreg $0xFFFFFFFF  }
0x4e: {  	_ =	task.clear_ibuf [dreg:s23], $0x2FFFF;
	_ =	strace $0x9FFFFFFF  }
0x4f: {  	(tm) =	ssettm $0x7FFFFFFF  }
tec
execute0_lowered:
.L_overlay_start_1:
0x0: {  	(tag) =	ssettag $0x1  }
0x1: {  	s4 =	rddreg [dreg:$0x0]  }
0x2: {  	s0 =	stileid.u32;
	s2 =	rddreg [dreg:$0x1]  }
0x3: {  	s7 =	srdreg.scid;
	s31 =	simm.s32 $0x2;
	s17 =	simm.s32 $0x0  }
0x4: {  	s9 =	simm.s32 $0x2000;
	s19 =	simm.s32 $0x0;
	s18 =	simm.s32 $0x0  }
0x5: {  	s10 =	simm.s32 $0x0;
	s11 =	simm.s32 $0x0;
	s1 =	sshll.u32 s0, $0x7  }
0x6: {  	s12 =	simm.s32 $0x0;
	s14 =	simm.s32 $0x0;
	s3 =	sand.u32 $0x380, s1  }
0x7: {  	s16 =	simm.s32 $0x0;
	s4 =	sadd.s32 $0x724E00, s4;
	s5 =	ssub.s32 $0x400, s3  }
0x8: {  	s8 =	sshll.u32 s0, $0x4;
	s7 =	sshll.u32 s7, $0x8;
	s6 =	sand.u32 $0x380, s5  }
0x9: {  	s1 =	rddreg [dreg:$0x2];
	p0 =	sne.s32 s6, $0x0;
	s6 =	simm.s32 $0x1  }
.Ltmp0:
0xa: {  	s5 =	sshrl.u32 s5, $0xA;
	s6 =	simm.s32 @!p0 $0x0;
	(pc) =	sbr.rel .LBB1_1-.Ltmp0, $4  }
0xb: {  	_ =	strace $0x8000004D;
	s7 =	sor.u32 s8, s7;
	s6 =	sadd.s32 s6, s5  }
0xc: {  	s7 =	sand.u32 $0x180, s7;
	s5 =	simm.s32 $0x1;
	s6 =	smul.u32 $0x64, s6  }
0xd: {  	s15 =	smov.u32 s3;
	s13 =	smov.u32 s7;
	[sflag:s5] =	ssyncpa.u1 $0x0  }
0xe: {  	p0 =	por $0x0, $0x0;
	[sflag:s31] =	ssyncpa.u1 $0x0;
	s8 =	sor.u32 $0x1, s6  }
.LBB1_4:
0xf: {  	s25 =	sshll.u32 s10, $0xA;
	s24 =	sshra.s32 s24, $0x2;
	s26 =	sshll.u32 s12, $0x3  }
0x10: {  	p1 =	sgt.s32 s11, $0x31;
	s27 =	smov.u32 s11;
	s28 =	sshra.s32 s11, $0x1F  }
0x11: {  	p2 =	sgt.s32 s12, $0x380;
	s31 =	sshra.s32 s12, $0x1F;
	s25 =	sand.u32 $0xFFFFE000, s25  }
0x12: {  	s26 =	sand.u32 $0xFFFFFC00, s26;
	s27 =	simm.s32 @!p1 $0x31;
	s28 =	sand.u32 s28, s11  }
0x13: {  	[tilespmem:s22+$0x2040 ss:$0x81] =	vst.msk $0xffff, v4;
	s23 =	sadd.s32 s24, s23;
	s29 =	sadd.s32 s26, s25;
	s25 =	ssub.s32 s27, s28  }
0x14: {  	[tilespmem:s22+$0x2850 ss:$0x81] =	vst.msk $0xffff, v3;
	s27 =	smov.u32 s12;
	s28 =	smov.u32 s10;
	s26 =	sand.u32 s31, s12  }
0x15: {  	[tilespmem:s22+$0x3060 ss:$0x81] =	vst.msk $0xffff, v2;
	s24 =	sshrl.u32 s29, $0xA;
	s30 =	sadd.s32 $0xFFFFFFCF, s25;
	s27 =	simm.s32 @!p2 $0x380  }
0x16: {  	v5 =	vld [tilespmem:s21+$0xFFFFFFD0];
	[tilespmem:s22+$0x0 ss:$0x81] =	vst.msk $0xffff, v1;
	p2 =	sgt.s32 s10, $0x368;
	s29 =	sshra.s32 s10, $0x1F;
	s22 =	ssub.s32 $0x32, s25  }
0x17: {  	v58 =	vld [tilespmem:s21+$0xFFFFFFE0];
	p1 =	sgt.s32 s30, $0x0;
	s28 =	simm.s32 @!p2 $0x368;
	s29 =	sand.u32 s29, s10  }
0x18: {  	v59 =	vld [tilespmem:s21+$0xFFFFFFF0];
	s26 =	ssub.s32 s27, s26;
	s27 =	smulhi.u32 $0x418938, s24;
	s28 =	ssub.s32 s28, s29  }
0x19: {  	v60 =	vld [tilespmem:s21+$0x0];
	s30 =	sadd.s32 $0xFFFFFC80, s26;
	s25 =	ssub.s32 $0x400, s26;
	s22 =	simm.s32 @p1 $0x0  }
0x1a: {  	v61 =	vld [tilespmem:s21+$0x10];
	[tilespmem:s23+$0x3870 ss:$0x81] =	vst.msk $0xffff, v0;
	s29 =	sand.u32 $0x78, s12;
	p2 =	sgt.s32 s30, $0x7F;
	s31 =	sadd.s32 $0xFFFFFC98, s28  }
0x1b: {  	v62 =	vld [tilespmem:s21+$0x20];
	[tilespmem:s23+$0x810 ss:$0x81] =	vst.msk $0xffff, v5;
	s27 =	smul.u32 $0x3E8, s27;
	s30 =	sshll.u32 s10, $0x7;
	s28 =	ssub.s32 $0x3E8, s28  }
0x1c: {  	v63 =	vld [tilespmem:s21+$0xFFFFFFC0];
	[tilespmem:s23+$0x1020 ss:$0x81] =	vst.msk $0xffff, v58;
	s25 =	simm.s32 @p2 $0x0;
	p1 =	sgt.s32 s31, $0x7F;
	s31 =	smul.u32 $0x1F400, s11  }
0x1d: {  	[tilespmem:s23+$0x1830 ss:$0x81] =	vst.msk $0xffff, v59;
	s21 =	sand.u32 $0x380, s30;
	s22 =	smul.u32 s25, s22;
	s28 =	simm.s32 @p1 $0x0  }
0x1e: {  	[tilespmem:s23+$0x2040 ss:$0x81] =	vst.msk $0xffff, v60;
	s21 =	sor.u32 s29, s21;
	s24 =	ssub.s32 s24, s27;
	s29 =	sand.u32 $0x7, s12  }
0x1f: {  	[tilespmem:s23+$0x2850 ss:$0x81] =	vst.msk $0xffff, v61;
	s21 =	sshrl.u32 s21, $0x3;
	s25 =	sadd.s32 s2, s31;
	s22 =	smul.u32 s28, s22  }
0x20: {  	[tilespmem:s23+$0x3060 ss:$0x81] =	vst.msk $0xffff, v62;
	s24 =	sshll.u32 s24, $0x7;
	s30 =	sshll.u32 s29, $0x12;
	s21 =	sadd.s32 s21, s25  }
0x21: {  	[tilespmem:s23+$0x0 ss:$0x81] =	vst.msk $0xffff, v63;
	s31 =	sor.u32 $0x400, s30;
	s21 =	sadd.s32 s24, s21;
	s22 =	sand.u32 $0x3FFFFFFF, s22  }
0x22: {  	[hbm4b:s21+s31] =	stream.strided.scatter [tilespmem:s20], [sflag:$0x2], s22, s9, s31, $0x20;
	[tilespmem:$0x10100] =	vst v63  }
.LBB1_5:
0x23: {  	p1 =	slt.u32 s16, $0x2  }
0x24: {  	p2 =	sgt.s32 @!p1 s19, $0x31  }
0x25: {  	s20 =	smov.u32 s19;
	s21 =	sshra.s32 @!p1 s19, $0x1F;
	p2 =	por !p2, p1  }
0x26: {  	s19 =	sand.u32 @!p1 s21, s19;
	s20 =	simm.s32 @p2 $0x31  }
0x27: {  	p3 =	sgt.s32 @!p1 s17, $0x368;
	s19 =	ssub.s32 @!p1 s20, s19  }
0x28: {  	p4 =	sgt.s32 @!p1 s18, $0x380;
	s22 =	sshra.s32 @!p1 s18, $0x1F;
	s20 =	sadd.s32 @!p1 $0xFFFFFFCF, s19  }
0x29: {  	s21 =	smov.u32 s17;
	p2 =	sgt.s32 @!p1 s20, $0x0;
	s20 =	sshra.s32 @!p1 s17, $0x1F  }
0x2a: {  	p4 =	por !p4, p1;
	s17 =	sand.u32 @!p1 s20, s17;
	s20 =	smov.u32 s18  }
0x2b: {  	p3 =	por !p3, p1;
	s18 =	sand.u32 @!p1 s22, s18;
	s20 =	simm.s32 @p4 $0x380  }
0x2c: {  	s21 =	simm.s32 @p3 $0x368;
	s19 =	ssub.s32 @!p1 $0x32, s19;
	s18 =	ssub.s32 @!p1 s20, s18  }
0x2d: {  	p2 =	por !p2, p1;
	s17 =	ssub.s32 @!p1 s21, s17;
	s21 =	sadd.s32 @!p1 $0xFFFFFC80, s18  }
0x2e: {  	s19 =	simm.s32 @!p2 $0x0;
	p3 =	sgt.s32 @!p1 s21, $0x7F  }
0x2f: {  	s20 =	sadd.s32 @!p1 $0xFFFFFC98, s17;
	s18 =	ssub.s32 @!p1 $0x400, s18;
	p3 =	por !p3, p1  }
0x30: {  	p2 =	sgt.s32 @!p1 s20, $0x7F;
	s20 =	sadd.s32 $0x200, s13;
	s18 =	simm.s32 @!p3 $0x0  }
0x31: {  	p3 =	sgt.s32 s20, $0x3E7;
	s18 =	smul.u32 @!p1 s18, s19;
	s19 =	simm.s32 $0x1  }
0x32: {  	s17 =	ssub.s32 @!p1 $0x3E8, s17;
	p2 =	por !p2, p1;
	s19 =	simm.s32 @!p3 $0x0  }
0x33: {  	s22 =	smov.u32 s15;
	s17 =	simm.s32 @!p2 $0x0;
	s21 =	sadd.s32 s19, s14  }
0x34: {  	s17 =	smul.u32 @!p1 s17, s18;
	s18 =	sadd.s32 $0x400, s15;
	p2 =	sgt.s32 s21, $0x31  }
0x35: {  	p0 =	por !p0, !p0;
	s23 =	simm.s32 @!p1 $0x2;
	s22 =	smov.u32 @p2 s18  }
0x36: {  	s20 =	smov.u32 @p3 s7;
	s21 =	simm.s32 @p2 $0x0;
	p2 =	sgt.s32 s22, $0x3FF  }
0x37: {  	s19 =	smov.u32 s11;
	s22 =	smov.u32 @p2 s3;
	p2 =	sne.s32 s16, s8  }
.Ltmp1:
0x38: {  	s11 =	smov.u32 s14;
	s17 =	sand.u32 @!p1 $0x3FFFFFFF, s17;
	(pc) =	sbr.rel @!p2 .LBB1_6-.Ltmp1, $4  }
0x39: {  	s18 =	smov.u32 s12;
	s12 =	smov.u32 s15;
	_ =	swait.ge @!p1 [sflag:s23], s17  }
0x3a: {  	s24 =	ssub.s32 @!p1 $0x0, s17;
	s17 =	smov.u32 s10;
	s10 =	smov.u32 s13  }
0x3b: {  	s13 =	smov.u32 s20;
	s14 =	smov.u32 s21;
	[sflag:s23] =	ssyncset.done @!p1 $0x0  }
0x3c: {  	s16 =	sadd.s32 $0x1, s16;
	[sflag:s23] =	ssyncadd.s32 @!p1 s24;
	s15 =	smov.u32 s22  }
.LBB1_1:
0x3d: {  	p1 =	sge.u32 s16, s6  }
0x3e: {  	s20 =	sshll.u32 @!p1 s14, $0xA  }
0x3f: {  	s21 =	sshll.u32 @!p1 s13, $0x3;
	s20 =	sand.u32 @!p1 $0xFFFFE000, s20  }
0x40: {  	s20 =	sadd.s32 @!p1 s20, s21  }
0x41: {  	s20 =	sshrl.u32 @!p1 s20, $0xA  }
0x42: {  	s21 =	smulhi.u32 @!p1 $0x4924925, s20  }
0x43: {  	s22 =	sshll.u32 @!p1 s14, $0x7;
	s24 =	smul.u32 @!p1 $0x1C00, s15  }
0x44: {  	s23 =	sand.u32 @!p1 $0x78, s13;
	s22 =	sand.u32 @!p1 $0x380, s22;
	s21 =	smul.u32 @!p1 $0x38, s21  }
0x45: {  	s31 =	sadd.s32 $0xFFFFFFFF, s16;
	s22 =	sor.u32 @!p1 s23, s22;
	s23 =	sadd.s32 @!p1 s4, s24  }
0x46: {  	s22 =	sshrl.u32 @!p1 s22, $0x3;
	s20 =	ssub.s32 @!p1 s20, s21;
	s21 =	sxor.u32 @!p1 $0xFFFFFFFF, s16  }
0x47: {  	s22 =	sadd.s32 @!p1 s22, s23;
	s23 =	sand.u32 @!p1 $0x7, s13;
	s21 =	sshll.u32 @!p1 s21, $0xE  }
0x48: {  	s23 =	sshll.u32 @!p1 s23, $0x12;
	s20 =	sshll.u32 @!p1 s20, $0x7;
	s21 =	sand.u32 @!p1 $0x4000, s21  }
0x49: {  	s20 =	sadd.s32 @!p1 s20, s22;
	s22 =	sor.u32 @!p1 $0x80, s23;
	s23 =	simm.s32 @!p1 $0xE000  }
0x4a: {  	[tilespmem:s21], [sflag:$0x1] =	stream.strided.gather @!p1 [hbm4b:s20+s22], $0x4000, s23, s22, $0x38;
	[tilespmem:$0x10100] =	vst v63  }
0x4b: {  	p1 =	sge.u32 s31, s6  }
.Ltmp2:
0x4c: {  	_ = 	snop;
	(pc) =	sbr.rel @p1 .LBB1_5-.Ltmp2, $1  }
0x4d: {  	_ =	sdelay $0x3  }
0x4e: {  	s20 =	simm.s32 $0x1  }
0x4f: {  	_ =	swait.ge [sflag:s5], $0x4000;
	s20 =	simm.s32 @!p0 $0x0  }
0x50: {  	[sflag:s5] =	ssyncset.done $0x0;
	s21 =	sshll.u32 s20, $0xE  }
0x51: {  	[sflag:s5] =	ssyncadd.s32 $0xFFFFC000;
	s21 =	sor.u32 $0x40, s21  }
0x52: {  	s20 =	smul.u32 $0x10200, s20;
	v0 =	vld [tilespmem:s21+$0x30]  }
0x53: {  	v1 =	vld [tilespmem:s21+$0xFFFFFFD0]  }
0x54: {  	s20 =	sshrl.u32 s20, $0x2;
	v5 =	vld [tilespmem:s21+$0xFFFFFFE0]  }
0x55: {  	v6 =	vld [tilespmem:s21+$0xFFFFFFF0];
	s23 =	sor.u32 $0x8000, s20  }
0x56: {  	s31 =	sand.u32 $0x1, s16;
	v4 =	vld [tilespmem:s21+$0x0];
	s22 =	sadd.s32 $0x0, s23  }
0x57: {  	v3 =	vld [tilespmem:s21+$0x10];
	s20 =	smul.u32 $0x10200, s31;
	[tilespmem:s22+$0x3870 ss:$0x81] =	vst.msk $0xffff, v0  }
0x58: {  	v2 =	vld [tilespmem:s21+$0x20];
	[tilespmem:s22+$0x810 ss:$0x81] =	vst.msk $0xffff, v1  }
0x59: {  	s20 =	sshrl.u32 s20, $0x2;
	v1 =	vld [tilespmem:s21+$0xFFFFFFC0];
	[tilespmem:s22+$0x1020 ss:$0x81] =	vst.msk $0xffff, v5;
	s21 =	sadd.s32 $0x80, s21  }
0x5a: {  	s24 =	simm.s32 $0x4;
	s25 =	simm.s32 $0x8;
	s20 =	sor.u32 $0x8000, s20;
	[tilespmem:s22+$0x1830 ss:$0x81] =	vst.msk $0xffff, v6;
	v0 =	vld [tilespmem:s21+$0x30]  }
.LBB1_3:
0x5b: {  	p1 =	sne.s32 s25, $0x1FC;
	v5 =	vld [tilespmem:s21+$0xFFFFFFD0];
	[tilespmem:s22+$0x2040 ss:$0x81] =	vst.msk $0xffff, v4  }
0x5c: {  	v6 =	vld [tilespmem:s21+$0xFFFFFFE0];
	[tilespmem:s22+$0x2850 ss:$0x81] =	vst.msk $0xffff, v3  }
0x5d: {  	s26 =	sshra.s32 s24, $0x2;
	s24 =	smov.u32 s25;
	v7 =	vld [tilespmem:s21+$0xFFFFFFF0];
	[tilespmem:s22+$0x3060 ss:$0x81] =	vst.msk $0xffff, v2  }
.Ltmp3:
0x5e: {  	v4 =	vld [tilespmem:s21+$0x0];
	[tilespmem:s22+$0x0 ss:$0x81] =	vst.msk $0xffff, v1;
	s22 =	sadd.s32 s26, s23;
	(pc) =	sbr.rel @p1 .LBB1_3-.Ltmp3, $4  }
0x5f: {  	v3 =	vld [tilespmem:s21+$0x10];
	[tilespmem:s22+$0x3870 ss:$0x81] =	vst.msk $0xffff, v0  }
0x60: {  	[tilespmem:s22+$0x810 ss:$0x81] =	vst.msk $0xffff, v5;
	v2 =	vld [tilespmem:s21+$0x20]  }
0x61: {  	v1 =	vld [tilespmem:s21+$0xFFFFFFC0];
	[tilespmem:s22+$0x1020 ss:$0x81] =	vst.msk $0xffff, v6;
	s21 =	sadd.s32 $0x80, s21  }
0x62: {  	s25 =	sadd.s32 $0x4, s25;
	v0 =	vld [tilespmem:s21+$0x30];
	[tilespmem:s22+$0x1830 ss:$0x81] =	vst.msk $0xffff, v7  }
.Ltmp4:
0x63: {  	_ = 	snop;
	(pc) =	sbr.rel .LBB1_4-.Ltmp4, $1  }
0x64: {  	_ =	sdelay $0x3  }
.LBB1_6:
0x65: {  	_ =	sfence.sel $0x180000  }
0x66: {  	s2 =	simm.s32 $0x1;
	[bflag:$0x0] =	sbarrier.arrive $0xFFFF  }
0x67: {  	s31 =	simm.s32 $0x2;
	[sflag:s2] =	ssyncpa.u1 $0x1  }
0x68: {  	[sflag:s31] =	ssyncpa.u1 $0x1  }
0x69: {  	p0 =	sne.s32 s0, $0x0;
	_ =	strace $0x9000004D  }
0x6a: {  	s0 =	sadd.s32 @!p0 $0x100000, s1;
	[bflag:$0x2] =	sbarrier.arrive $0xFFFF  }
0x6b: {  	[sflag:s0] =	ssyncadd.tile.s32 @!p0 $0x1;
	_ =	shalt  }
.Lfunc_end1:
_tile_overlayer_lowered:
.L_overlay_start_2:
0x6c: {  	(tag) =	ssettag $0x2  }
0x6d: {  	s0 =	rddreg [dreg:$0x0];
	s2 =	stileid.u32  }
0x6e: {  	s1 =	rddreg [dreg:$0x1];
	p0 =	sne.s32 s2, $0x0  }
0x6f: {  	s3 =	rddreg [dreg:$0x2];
	[bflag:$0x3] =	sbarrier.arrive $0xFFFF;
	s2 =	simm.s32 @!p0 $0x1C01  }
0x70: {  	[timem:s3], [sflag:s2] =	dma.local @!p0 [hbm:s0], s1  }
0x71: {  	s0 =	simm.s32 @!p0 $0x1  }
0x72: {  	_ =	swait.ge @!p0 [sflag:s0], s1  }
0x73: {  	s1 =	ssub.s32 @!p0 $0x0, s1;
	[sflag:s0] =	ssyncset.done @!p0 $0x0  }
0x74: {  	[sflag:s0] =	ssyncadd.s32 @!p0 s1  }
0x75: {  	[bflag:$0x3] =	sbarrier.arrive $0xFFFF  }
0x76: {  	_ =	shalt  }

</sc_bundles>
